<compile_context>
chip_gen: v7x
topology: tpu7x:2x2x1
jax: 0.10.2.dev20260603
libtpu: 0.0.44.dev20260713+nightly
codegen_flags: <defaults>
</compile_context>

<pallas_src>
import functools

import jax
import jax.numpy as jnp
from jax import lax
from jax.experimental import pallas as pl
from jax.experimental.pallas import tpu as pltpu
from jax.experimental.pallas import tpu_sc as plsc

_SDF_MIN = -7.0
_SDF_MAX = 7.0
_N_BINS = 256
_K = (_N_BINS - 1) / (_SDF_MAX - _SDF_MIN)
_B = -_SDF_MIN * (_N_BINS - 1) / (_SDF_MAX - _SDF_MIN)
_MAGIC = 12582912.0

_NC = 2
_NS = 16
_NW = _NC * _NS
_LANES = 16

_N_TOTAL = 8 * 128 * 128 * 128
_N_PER = _N_TOTAL // _NW
_CHUNK = 16384
_NCH = _N_PER // _CHUNK
_NACC = 4
_GROUPS = _CHUNK // (_LANES * _NACC)


def _chunk_body(yp_buf, yt_buf, lut_v, accs):

    def body(i, accs):
        base = i * (_LANES * _NACC)
        out = []
        for j, acc in enumerate(accs):
            s = pl.ds(base + j * _LANES, _LANES)
            yt_v = yt_buf[s]
            yp_v = yp_buf[s]
            u = jnp.minimum(jnp.maximum(yt_v * _K + _B, 0.0), float(_N_BINS - 1))
            t = lax.bitcast_convert_type(u + _MAGIC, jnp.int32)
            idx = jnp.bitwise_and(t, _N_BINS - 1)
            w = plsc.load_gather(lut_v, [idx])
            d = yp_v - yt_v
            out.append(acc + w * (d * d))
        return tuple(out)

    return plsc.parallel_loop(0, _GROUPS, unroll=4, carry=accs)(body)


_mesh = plsc.VectorSubcoreMesh(core_axis_name="c", subcore_axis_name="s")


@functools.partial(
    pl.kernel,
    mesh=_mesh,
    compiler_params=pltpu.CompilerParams(needs_layout_passes=False),
    out_type=jax.ShapeDtypeStruct((_NW, _LANES), jnp.float32),
    scratch_types=[
        pltpu.VMEM((_N_BINS,), jnp.float32),
        pltpu.VMEM((_CHUNK,), jnp.float32),
        pltpu.VMEM((_CHUNK,), jnp.float32),
        pltpu.VMEM((_CHUNK,), jnp.float32),
        pltpu.VMEM((_CHUNK,), jnp.float32),
        pltpu.SemaphoreType.DMA,
        pltpu.SemaphoreType.DMA,
        pltpu.VMEM((_LANES,), jnp.float32),
    ],
)
def _sc_loss(yp_hbm, yt_hbm, lut_hbm, out_hbm,
             lut_v, yp_a, yp_b, yt_a, yt_b, sem_a, sem_b, acc_v):
    wid = lax.axis_index("s") * _NC + lax.axis_index("c")
    base = wid * _N_PER

    pltpu.sync_copy(lut_hbm, lut_v)

    def start(buf_yp, buf_yt, sem, chunk_i):
        off = base + chunk_i * _CHUNK
        pltpu.make_async_copy(yp_hbm.at[pl.ds(off, _CHUNK)], buf_yp, sem).start()
        pltpu.make_async_copy(yt_hbm.at[pl.ds(off, _CHUNK)], buf_yt, sem).start()

    def wait(buf_yp, buf_yt, sem):
        pltpu.make_async_copy(yp_hbm.at[pl.ds(0, _CHUNK)], buf_yp, sem).wait()
        pltpu.make_async_copy(yt_hbm.at[pl.ds(0, _CHUNK)], buf_yt, sem).wait()

    start(yp_a, yt_a, sem_a, 0)
    start(yp_b, yt_b, sem_b, 1)

    def outer(g, accs):
        wait(yp_a, yt_a, sem_a)
        accs = _chunk_body(yp_a, yt_a, lut_v, accs)

        @pl.when(g < _NCH // 2 - 1)
        def _():
            start(yp_a, yt_a, sem_a, 2 * g + 2)

        wait(yp_b, yt_b, sem_b)
        accs = _chunk_body(yp_b, yt_b, lut_v, accs)

        @pl.when(g < _NCH // 2 - 1)
        def _():
            start(yp_b, yt_b, sem_b, 2 * g + 3)

        return accs

    zero = jnp.zeros((_LANES,), jnp.float32)
    accs = lax.fori_loop(0, _NCH // 2, outer, (zero,) * _NACC)
    acc = (accs[0] + accs[1]) + (accs[2] + accs[3])
    acc_v[...] = acc
    pltpu.sync_copy(acc_v, out_hbm.at[wid])


def kernel(y_pred, y_true, lut):
    partials = _sc_loss(y_pred.reshape(-1), y_true.reshape(-1), lut)
    return partials.sum() / y_pred.size

# --- scband reference (transcript-rebuilt; emitter-appended) ---
"""Pipeline reference for scband-fixed-lutweighted-mseloss-13219909337499 (READ-ONLY COPY).

The authoritative reference and input builder live on the scoring server;
editing this copy changes nothing except your own understanding.
"""

import jax, jax.numpy as jnp
import numpy as np

SDF_MIN = -7.0
SDF_MAX = 7.0
N_BINS = 256


def setup_inputs(seed: int = 0) -> dict:
    key = jax.random.key(seed)
    k1, k2 = jax.random.split(key)
    y_pred = jax.random.normal(k1, (8, 128, 128, 128), dtype=jnp.float32)
    y_true = jax.random.normal(k2, (8, 128, 128, 128), dtype=jnp.float32)
    lut = jnp.ones((N_BINS,), dtype=jnp.float32)
    return {"y_pred": y_pred, "y_true": y_true, "lut": lut}


def reference(y_pred, y_true, lut):
    scale = 1.0 / (SDF_MAX - SDF_MIN)
    # _bin_indices (computed under no_grad in the torch original)
    clamped = jnp.clip(y_true, SDF_MIN, SDF_MAX)
    unit = (clamped - SDF_MIN) * scale
    idx = jnp.round(unit * (N_BINS - 1)).astype(jnp.int32)
    idx = jax.lax.stop_gradient(idx)
    # LUT gather -> per-element weight
    w = jnp.take(lut, idx, axis=0).astype(y_pred.dtype)
    wse = w * (y_pred - y_true) ** 2
    # reduction == 'mean'
    return wse.sum() / y_pred.size

if __name__ == "__main__":
    import jax
    _d = setup_inputs()
    print(jax.jit(kernel)(*tuple(_d.values())))

</pallas_src>

<mosaic_0001>
#map = affine_map<(d0, d1) -> (0)>
#map1 = affine_map<(d0, d1) -> (0, 0)>
module attributes {stable_mosaic.version = 14 : i64} {
  func.func @_sc_loss(%arg0: i32, %arg1: i32, %arg2: memref<16777216xf32, #tpu.memory_space<hbm>>, %arg3: memref<16777216xf32, #tpu.memory_space<hbm>>, %arg4: memref<256xf32, #tpu.memory_space<hbm>>, %arg5: memref<32x16xf32, #tpu.memory_space<hbm>>, %arg6: memref<256xf32, #tpu.memory_space<vmem>>, %arg7: memref<16384xf32, #tpu.memory_space<vmem>>, %arg8: memref<16384xf32, #tpu.memory_space<vmem>>, %arg9: memref<16384xf32, #tpu.memory_space<vmem>>, %arg10: memref<16384xf32, #tpu.memory_space<vmem>>, %arg11: memref<!tpu.dma_semaphore, #tpu.memory_space<semaphore_mem>>, %arg12: memref<!tpu.dma_semaphore, #tpu.memory_space<semaphore_mem>>, %arg13: memref<16xf32, #tpu.memory_space<vmem>>) attributes {dimension_semantics = [#tpu.dimension_semantics<core_parallel>, #tpu.dimension_semantics<subcore_parallel>], iteration_bounds = array<i64: 2, 16>, scalar_prefetch = 0 : i64, scratch_operands = 8 : i64, tpu.core_type = #tpu.core_type<sc_vector_subcore>, window_params = [{transform_indices = #map}, {transform_indices = #map}, {transform_indices = #map}, {transform_indices = #map1}]} {
    %mul3A = arith.constant 2 : i32
    %mul3A_0 = arith.muli %arg1, %mul3A : i32
    %add3A = arith.addi %mul3A_0, %arg0 : i32
    %mul3A_1 = arith.constant 524288 : i32
    %mul3A_2 = arith.muli %add3A, %mul3A_1 : i32
    "tpu.region"() ({
      %run_scoped3A = tpu.sem_alloc : memref<!tpu.dma_semaphore, #tpu.memory_space<semaphore_mem>>
      tpu.enqueue_dma source(%arg4 : memref<256xf32, #tpu.memory_space<hbm>>) target(%arg6 : memref<256xf32, #tpu.memory_space<vmem>>) target_semaphore(%run_scoped3A : memref<!tpu.dma_semaphore, #tpu.memory_space<semaphore_mem>>)
      tpu.wait_dma2 semaphore(%run_scoped3A : memref<!tpu.dma_semaphore, #tpu.memory_space<semaphore_mem>>) src(%arg4 : memref<256xf32, #tpu.memory_space<hbm>>) dst(%arg6 : memref<256xf32, #tpu.memory_space<vmem>>)
      tpu.yield
    }) : () -> ()
    %add3A_3 = arith.constant 0 : i32
    %add3A_4 = arith.addi %mul3A_2, %add3A_3 : i32
    %dma_start3A = tpu.memref_slice %arg2[%add3A_4] : memref<16777216xf32, #tpu.memory_space<hbm>> -> memref<16384xf32, #tpu.memory_space<hbm>>
    %dma_start3A_5 = tpu.memref_slice %arg2[%add3A_4] : memref<16777216xf32, #tpu.memory_space<hbm>> -> memref<16384xf32, #tpu.memory_space<hbm>>
    tpu.enqueue_dma source(%dma_start3A_5 : memref<16384xf32, #tpu.memory_space<hbm>>) target(%arg7 : memref<16384xf32, #tpu.memory_space<vmem>>) target_semaphore(%arg11 : memref<!tpu.dma_semaphore, #tpu.memory_space<semaphore_mem>>)
    %dma_start3A_6 = tpu.memref_slice %arg3[%add3A_4] : memref<16777216xf32, #tpu.memory_space<hbm>> -> memref<16384xf32, #tpu.memory_space<hbm>>
    %dma_start3A_7 = tpu.memref_slice %arg3[%add3A_4] : memref<16777216xf32, #tpu.memory_space<hbm>> -> memref<16384xf32, #tpu.memory_space<hbm>>
    tpu.enqueue_dma source(%dma_start3A_7 : memref<16384xf32, #tpu.memory_space<hbm>>) target(%arg9 : memref<16384xf32, #tpu.memory_space<vmem>>) target_semaphore(%arg11 : memref<!tpu.dma_semaphore, #tpu.memory_space<semaphore_mem>>)
    %add3A_8 = arith.constant 16384 : i32
    %add3A_9 = arith.addi %mul3A_2, %add3A_8 : i32
    %dma_start3A_10 = tpu.memref_slice %arg2[%add3A_9] : memref<16777216xf32, #tpu.memory_space<hbm>> -> memref<16384xf32, #tpu.memory_space<hbm>>
    %dma_start3A_11 = tpu.memref_slice %arg2[%add3A_9] : memref<16777216xf32, #tpu.memory_space<hbm>> -> memref<16384xf32, #tpu.memory_space<hbm>>
    tpu.enqueue_dma source(%dma_start3A_11 : memref<16384xf32, #tpu.memory_space<hbm>>) target(%arg8 : memref<16384xf32, #tpu.memory_space<vmem>>) target_semaphore(%arg12 : memref<!tpu.dma_semaphore, #tpu.memory_space<semaphore_mem>>)
    %dma_start3A_12 = tpu.memref_slice %arg3[%add3A_9] : memref<16777216xf32, #tpu.memory_space<hbm>> -> memref<16384xf32, #tpu.memory_space<hbm>>
    %dma_start3A_13 = tpu.memref_slice %arg3[%add3A_9] : memref<16777216xf32, #tpu.memory_space<hbm>> -> memref<16384xf32, #tpu.memory_space<hbm>>
    tpu.enqueue_dma source(%dma_start3A_13 : memref<16384xf32, #tpu.memory_space<hbm>>) target(%arg10 : memref<16384xf32, #tpu.memory_space<vmem>>) target_semaphore(%arg12 : memref<!tpu.dma_semaphore, #tpu.memory_space<semaphore_mem>>)
    %broadcast_in_dim3A = arith.constant 0.000000e+00 : f32
    %broadcast_in_dim3A_14 = vector.broadcast %broadcast_in_dim3A : f32 to vector<16xf32>
    %scan3A = arith.constant 0 : i32
    %scan3A_15 = arith.constant 16 : i32
    %scan3A_16 = arith.addi %scan3A, %scan3A_15 : i32
    %scan3A_17 = arith.constant 1 : i32
    %scan3A_18:4 = scf.for %scan3A_24 = %scan3A to %scan3A_16 step %scan3A_17 iter_args(%scan3A_25 = %broadcast_in_dim3A_14, %scan3A_26 = %broadcast_in_dim3A_14, %scan3A_27 = %broadcast_in_dim3A_14, %scan3A_28 = %broadcast_in_dim3A_14) -> (vector<16xf32>, vector<16xf32>, vector<16xf32>, vector<16xf32>)  : i32 {
      %dma_wait3A = arith.constant 0 : i32
      %dma_wait3A_29 = tpu.memref_slice %arg2[%dma_wait3A] : memref<16777216xf32, #tpu.memory_space<hbm>> -> memref<16384xf32, #tpu.memory_space<hbm>>
      %dma_wait3A_30 = arith.constant 0 : i32
      %dma_wait3A_31 = tpu.memref_slice %arg2[%dma_wait3A_30] : memref<16777216xf32, #tpu.memory_space<hbm>> -> memref<16384xf32, #tpu.memory_space<hbm>>
      tpu.wait_dma2 semaphore(%arg11 : memref<!tpu.dma_semaphore, #tpu.memory_space<semaphore_mem>>) src(%dma_wait3A_31 : memref<16384xf32, #tpu.memory_space<hbm>>) dst(%arg7 : memref<16384xf32, #tpu.memory_space<vmem>>)
      %dma_wait3A_32 = arith.constant 0 : i32
      %dma_wait3A_33 = tpu.memref_slice %arg3[%dma_wait3A_32] : memref<16777216xf32, #tpu.memory_space<hbm>> -> memref<16384xf32, #tpu.memory_space<hbm>>
      %dma_wait3A_34 = arith.constant 0 : i32
      %dma_wait3A_35 = tpu.memref_slice %arg3[%dma_wait3A_34] : memref<16777216xf32, #tpu.memory_space<hbm>> -> memref<16384xf32, #tpu.memory_space<hbm>>
      tpu.wait_dma2 semaphore(%arg11 : memref<!tpu.dma_semaphore, #tpu.memory_space<semaphore_mem>>) src(%dma_wait3A_35 : memref<16384xf32, #tpu.memory_space<hbm>>) dst(%arg9 : memref<16384xf32, #tpu.memory_space<vmem>>)
      %parallel_loop3A = arith.constant 0 : i32
      %parallel_loop3A_36 = arith.constant 256 : i32
      %parallel_loop3A_37 = arith.constant 1 : i32
      %parallel_loop3A_38:4 = scf.for %parallel_loop3A_58 = %parallel_loop3A to %parallel_loop3A_36 step %parallel_loop3A_37 iter_args(%parallel_loop3A_59 = %scan3A_25, %parallel_loop3A_60 = %scan3A_26, %parallel_loop3A_61 = %scan3A_27, %parallel_loop3A_62 = %scan3A_28) -> (vector<16xf32>, vector<16xf32>, vector<16xf32>, vector<16xf32>)  : i32 {
        %parallel_loop3A_63 = arith.constant 64 : i32
        %parallel_loop3A_64 = arith.muli %parallel_loop3A_58, %parallel_loop3A_63 : i32
        %parallel_loop3A_65 = arith.constant 0 : i32
        %parallel_loop3A_66 = arith.addi %parallel_loop3A_64, %parallel_loop3A_65 : i32
        %parallel_loop3A_67 = arith.index_cast %parallel_loop3A_66 : i32 to index
        %parallel_loop3A_68 = tpu.vector_load %arg9[%parallel_loop3A_67] {strides = array<i32>} : memref<16384xf32, #tpu.memory_space<vmem>>, vector<16xf32>,
        %parallel_loop3A_69 = arith.index_cast %parallel_loop3A_66 : i32 to index
        %parallel_loop3A_70 = tpu.vector_load %arg7[%parallel_loop3A_69] {strides = array<i32>} : memref<16384xf32, #tpu.memory_space<vmem>>, vector<16xf32>,
        %parallel_loop3A_71 = arith.constant 18.2142849 : f32
        %parallel_loop3A_72 = vector.broadcast %parallel_loop3A_71 : f32 to vector<16xf32>
        %parallel_loop3A_73 = arith.mulf %parallel_loop3A_68, %parallel_loop3A_72 : vector<16xf32>
        %parallel_loop3A_74 = arith.constant 1.275000e+02 : f32
        %parallel_loop3A_75 = vector.broadcast %parallel_loop3A_74 : f32 to vector<16xf32>
        %parallel_loop3A_76 = arith.addf %parallel_loop3A_73, %parallel_loop3A_75 : vector<16xf32>
        %parallel_loop3A_77 = arith.constant 0.000000e+00 : f32
        %parallel_loop3A_78 = vector.broadcast %parallel_loop3A_77 : f32 to vector<16xf32>
        %parallel_loop3A_79 = arith.maximumf %parallel_loop3A_76, %parallel_loop3A_78 : vector<16xf32>
        %parallel_loop3A_80 = arith.constant 2.550000e+02 : f32
        %parallel_loop3A_81 = vector.broadcast %parallel_loop3A_80 : f32 to vector<16xf32>
        %parallel_loop3A_82 = arith.minimumf %parallel_loop3A_79, %parallel_loop3A_81 : vector<16xf32>
        %parallel_loop3A_83 = arith.constant 0x4B400000 : f32
        %parallel_loop3A_84 = vector.broadcast %parallel_loop3A_83 : f32 to vector<16xf32>
        %parallel_loop3A_85 = arith.addf %parallel_loop3A_82, %parallel_loop3A_84 : vector<16xf32>
        %parallel_loop3A_86 = tpu.bitcast %parallel_loop3A_85 : vector<16xf32> -> vector<16xi32>
        %parallel_loop3A_87 = arith.constant 255 : i32
        %parallel_loop3A_88 = vector.broadcast %parallel_loop3A_87 : i32 to vector<16xi32>
        %parallel_loop3A_89 = arith.andi %parallel_loop3A_86, %parallel_loop3A_88 : vector<16xi32>
        %parallel_loop3A_90 = tpu.vector_load_idx %arg6[%parallel_loop3A_89] : memref<256xf32, #tpu.memory_space<vmem>>[vector<16xi32>], vector<16xf32>,
        %parallel_loop3A_91 = arith.subf %parallel_loop3A_70, %parallel_loop3A_68 : vector<16xf32>
        %parallel_loop3A_92 = arith.mulf %parallel_loop3A_91, %parallel_loop3A_91 : vector<16xf32>
        %parallel_loop3A_93 = arith.mulf %parallel_loop3A_90, %parallel_loop3A_92 : vector<16xf32>
        %parallel_loop3A_94 = arith.addf %parallel_loop3A_59, %parallel_loop3A_93 : vector<16xf32>
        %parallel_loop3A_95 = arith.constant 16 : i32
        %parallel_loop3A_96 = arith.addi %parallel_loop3A_64, %parallel_loop3A_95 : i32
        %parallel_loop3A_97 = arith.index_cast %parallel_loop3A_96 : i32 to index
        %parallel_loop3A_98 = tpu.vector_load %arg9[%parallel_loop3A_97] {strides = array<i32>} : memref<16384xf32, #tpu.memory_space<vmem>>, vector<16xf32>,
        %parallel_loop3A_99 = arith.index_cast %parallel_loop3A_96 : i32 to index
        %parallel_loop3A_100 = tpu.vector_load %arg7[%parallel_loop3A_99] {strides = array<i32>} : memref<16384xf32, #tpu.memory_space<vmem>>, vector<16xf32>,
        %parallel_loop3A_101 = arith.constant 18.2142849 : f32
        %parallel_loop3A_102 = vector.broadcast %parallel_loop3A_101 : f32 to vector<16xf32>
        %parallel_loop3A_103 = arith.mulf %parallel_loop3A_98, %parallel_loop3A_102 : vector<16xf32>
        %parallel_loop3A_104 = arith.constant 1.275000e+02 : f32
        %parallel_loop3A_105 = vector.broadcast %parallel_loop3A_104 : f32 to vector<16xf32>
        %parallel_loop3A_106 = arith.addf %parallel_loop3A_103, %parallel_loop3A_105 : vector<16xf32>
        %parallel_loop3A_107 = arith.constant 0.000000e+00 : f32
        %parallel_loop3A_108 = vector.broadcast %parallel_loop3A_107 : f32 to vector<16xf32>
        %parallel_loop3A_109 = arith.maximumf %parallel_loop3A_106, %parallel_loop3A_108 : vector<16xf32>
        %parallel_loop3A_110 = arith.constant 2.550000e+02 : f32
        %parallel_loop3A_111 = vector.broadcast %parallel_loop3A_110 : f32 to vector<16xf32>
        %parallel_loop3A_112 = arith.minimumf %parallel_loop3A_109, %parallel_loop3A_111 : vector<16xf32>
        %parallel_loop3A_113 = arith.constant 0x4B400000 : f32
        %parallel_loop3A_114 = vector.broadcast %parallel_loop3A_113 : f32 to vector<16xf32>
        %parallel_loop3A_115 = arith.addf %parallel_loop3A_112, %parallel_loop3A_114 : vector<16xf32>
        %parallel_loop3A_116 = tpu.bitcast %parallel_loop3A_115 : vector<16xf32> -> vector<16xi32>
        %parallel_loop3A_117 = arith.constant 255 : i32
        %parallel_loop3A_118 = vector.broadcast %parallel_loop3A_117 : i32 to vector<16xi32>
        %parallel_loop3A_119 = arith.andi %parallel_loop3A_116, %parallel_loop3A_118 : vector<16xi32>
        %parallel_loop3A_120 = tpu.vector_load_idx %arg6[%parallel_loop3A_119] : memref<256xf32, #tpu.memory_space<vmem>>[vector<16xi32>], vector<16xf32>,
        %parallel_loop3A_121 = arith.subf %parallel_loop3A_100, %parallel_loop3A_98 : vector<16xf32>
        %parallel_loop3A_122 = arith.mulf %parallel_loop3A_121, %parallel_loop3A_121 : vector<16xf32>
        %parallel_loop3A_123 = arith.mulf %parallel_loop3A_120, %parallel_loop3A_122 : vector<16xf32>
        %parallel_loop3A_124 = arith.addf %parallel_loop3A_60, %parallel_loop3A_123 : vector<16xf32>
        %parallel_loop3A_125 = arith.constant 32 : i32
        %parallel_loop3A_126 = arith.addi %parallel_loop3A_64, %parallel_loop3A_125 : i32
        %parallel_loop3A_127 = arith.index_cast %parallel_loop3A_126 : i32 to index
        %parallel_loop3A_128 = tpu.vector_load %arg9[%parallel_loop3A_127] {strides = array<i32>} : memref<16384xf32, #tpu.memory_space<vmem>>, vector<16xf32>,
        %parallel_loop3A_129 = arith.index_cast %parallel_loop3A_126 : i32 to index
        %parallel_loop3A_130 = tpu.vector_load %arg7[%parallel_loop3A_129] {strides = array<i32>} : memref<16384xf32, #tpu.memory_space<vmem>>, vector<16xf32>,
        %parallel_loop3A_131 = arith.constant 18.2142849 : f32
        %parallel_loop3A_132 = vector.broadcast %parallel_loop3A_131 : f32 to vector<16xf32>
        %parallel_loop3A_133 = arith.mulf %parallel_loop3A_128, %parallel_loop3A_132 : vector<16xf32>
        %parallel_loop3A_134 = arith.constant 1.275000e+02 : f32
        %parallel_loop3A_135 = vector.broadcast %parallel_loop3A_134 : f32 to vector<16xf32>
        %parallel_loop3A_136 = arith.addf %parallel_loop3A_133, %parallel_loop3A_135 : vector<16xf32>
        %parallel_loop3A_137 = arith.constant 0.000000e+00 : f32
        %parallel_loop3A_138 = vector.broadcast %parallel_loop3A_137 : f32 to vector<16xf32>
        %parallel_loop3A_139 = arith.maximumf %parallel_loop3A_136, %parallel_loop3A_138 : vector<16xf32>
        %parallel_loop3A_140 = arith.constant 2.550000e+02 : f32
        %parallel_loop3A_141 = vector.broadcast %parallel_loop3A_140 : f32 to vector<16xf32>
        %parallel_loop3A_142 = arith.minimumf %parallel_loop3A_139, %parallel_loop3A_141 : vector<16xf32>
        %parallel_loop3A_143 = arith.constant 0x4B400000 : f32
        %parallel_loop3A_144 = vector.broadcast %parallel_loop3A_143 : f32 to vector<16xf32>
        %parallel_loop3A_145 = arith.addf %parallel_loop3A_142, %parallel_loop3A_144 : vector<16xf32>
        %parallel_loop3A_146 = tpu.bitcast %parallel_loop3A_145 : vector<16xf32> -> vector<16xi32>
        %parallel_loop3A_147 = arith.constant 255 : i32
        %parallel_loop3A_148 = vector.broadcast %parallel_loop3A_147 : i32 to vector<16xi32>
        %parallel_loop3A_149 = arith.andi %parallel_loop3A_146, %parallel_loop3A_148 : vector<16xi32>
        %parallel_loop3A_150 = tpu.vector_load_idx %arg6[%parallel_loop3A_149] : memref<256xf32, #tpu.memory_space<vmem>>[vector<16xi32>], vector<16xf32>,
        %parallel_loop3A_151 = arith.subf %parallel_loop3A_130, %parallel_loop3A_128 : vector<16xf32>
        %parallel_loop3A_152 = arith.mulf %parallel_loop3A_151, %parallel_loop3A_151 : vector<16xf32>
        %parallel_loop3A_153 = arith.mulf %parallel_loop3A_150, %parallel_loop3A_152 : vector<16xf32>
        %parallel_loop3A_154 = arith.addf %parallel_loop3A_61, %parallel_loop3A_153 : vector<16xf32>
        %parallel_loop3A_155 = arith.constant 48 : i32
        %parallel_loop3A_156 = arith.addi %parallel_loop3A_64, %parallel_loop3A_155 : i32
        %parallel_loop3A_157 = arith.index_cast %parallel_loop3A_156 : i32 to index
        %parallel_loop3A_158 = tpu.vector_load %arg9[%parallel_loop3A_157] {strides = array<i32>} : memref<16384xf32, #tpu.memory_space<vmem>>, vector<16xf32>,
        %parallel_loop3A_159 = arith.index_cast %parallel_loop3A_156 : i32 to index
        %parallel_loop3A_160 = tpu.vector_load %arg7[%parallel_loop3A_159] {strides = array<i32>} : memref<16384xf32, #tpu.memory_space<vmem>>, vector<16xf32>,
        %parallel_loop3A_161 = arith.constant 18.2142849 : f32
        %parallel_loop3A_162 = vector.broadcast %parallel_loop3A_161 : f32 to vector<16xf32>
        %parallel_loop3A_163 = arith.mulf %parallel_loop3A_158, %parallel_loop3A_162 : vector<16xf32>
        %parallel_loop3A_164 = arith.constant 1.275000e+02 : f32
        %parallel_loop3A_165 = vector.broadcast %parallel_loop3A_164 : f32 to vector<16xf32>
        %parallel_loop3A_166 = arith.addf %parallel_loop3A_163, %parallel_loop3A_165 : vector<16xf32>
        %parallel_loop3A_167 = arith.constant 0.000000e+00 : f32
        %parallel_loop3A_168 = vector.broadcast %parallel_loop3A_167 : f32 to vector<16xf32>
        %parallel_loop3A_169 = arith.maximumf %parallel_loop3A_166, %parallel_loop3A_168 : vector<16xf32>
        %parallel_loop3A_170 = arith.constant 2.550000e+02 : f32
        %parallel_loop3A_171 = vector.broadcast %parallel_loop3A_170 : f32 to vector<16xf32>
        %parallel_loop3A_172 = arith.minimumf %parallel_loop3A_169, %parallel_loop3A_171 : vector<16xf32>
        %parallel_loop3A_173 = arith.constant 0x4B400000 : f32
        %parallel_loop3A_174 = vector.broadcast %parallel_loop3A_173 : f32 to vector<16xf32>
        %parallel_loop3A_175 = arith.addf %parallel_loop3A_172, %parallel_loop3A_174 : vector<16xf32>
        %parallel_loop3A_176 = tpu.bitcast %parallel_loop3A_175 : vector<16xf32> -> vector<16xi32>
        %parallel_loop3A_177 = arith.constant 255 : i32
        %parallel_loop3A_178 = vector.broadcast %parallel_loop3A_177 : i32 to vector<16xi32>
        %parallel_loop3A_179 = arith.andi %parallel_loop3A_176, %parallel_loop3A_178 : vector<16xi32>
        %parallel_loop3A_180 = tpu.vector_load_idx %arg6[%parallel_loop3A_179] : memref<256xf32, #tpu.memory_space<vmem>>[vector<16xi32>], vector<16xf32>,
        %parallel_loop3A_181 = arith.subf %parallel_loop3A_160, %parallel_loop3A_158 : vector<16xf32>
        %parallel_loop3A_182 = arith.mulf %parallel_loop3A_181, %parallel_loop3A_181 : vector<16xf32>
        %parallel_loop3A_183 = arith.mulf %parallel_loop3A_180, %parallel_loop3A_182 : vector<16xf32>
        %parallel_loop3A_184 = arith.addf %parallel_loop3A_62, %parallel_loop3A_183 : vector<16xf32>
        scf.yield %parallel_loop3A_94, %parallel_loop3A_124, %parallel_loop3A_154, %parallel_loop3A_184 : vector<16xf32>, vector<16xf32>, vector<16xf32>, vector<16xf32>
      } {sc.loop_unroll_factor = 4 : i64, sc.parallel_access}
      %lt3A = arith.constant 15 : i32
      %lt3A_39 = arith.cmpi slt, %scan3A_24, %lt3A : i32
      %convert_element_type3A = arith.extui %lt3A_39 : i1 to i32
      %cond3A = arith.constant 0 : i32
      %cond3A_40 = arith.cmpi ne, %convert_element_type3A, %cond3A : i32
      scf.if %cond3A_40 {
        %mul3A_58 = arith.constant 2 : i32
        %mul3A_59 = arith.muli %mul3A_58, %scan3A_24 : i32
        %add3A_60 = arith.constant 2 : i32
        %add3A_61 = arith.addi %mul3A_59, %add3A_60 : i32
        %mul3A_62 = arith.constant 16384 : i32
        %mul3A_63 = arith.muli %add3A_61, %mul3A_62 : i32
        %add3A_64 = arith.addi %mul3A_2, %mul3A_63 : i32
        %dma_start3A_65 = tpu.memref_slice %arg2[%add3A_64] : memref<16777216xf32, #tpu.memory_space<hbm>> -> memref<16384xf32, #tpu.memory_space<hbm>>
        %dma_start3A_66 = tpu.memref_slice %arg2[%add3A_64] : memref<16777216xf32, #tpu.memory_space<hbm>> -> memref<16384xf32, #tpu.memory_space<hbm>>
        tpu.enqueue_dma source(%dma_start3A_66 : memref<16384xf32, #tpu.memory_space<hbm>>) target(%arg7 : memref<16384xf32, #tpu.memory_space<vmem>>) target_semaphore(%arg11 : memref<!tpu.dma_semaphore, #tpu.memory_space<semaphore_mem>>)
        %dma_start3A_67 = tpu.memref_slice %arg3[%add3A_64] : memref<16777216xf32, #tpu.memory_space<hbm>> -> memref<16384xf32, #tpu.memory_space<hbm>>
        %dma_start3A_68 = tpu.memref_slice %arg3[%add3A_64] : memref<16777216xf32, #tpu.memory_space<hbm>> -> memref<16384xf32, #tpu.memory_space<hbm>>
        tpu.enqueue_dma source(%dma_start3A_68 : memref<16384xf32, #tpu.memory_space<hbm>>) target(%arg9 : memref<16384xf32, #tpu.memory_space<vmem>>) target_semaphore(%arg11 : memref<!tpu.dma_semaphore, #tpu.memory_space<semaphore_mem>>)
      } else {
      }
      %dma_wait3A_41 = arith.constant 0 : i32
      %dma_wait3A_42 = tpu.memref_slice %arg2[%dma_wait3A_41] : memref<16777216xf32, #tpu.memory_space<hbm>> -> memref<16384xf32, #tpu.memory_space<hbm>>
      %dma_wait3A_43 = arith.constant 0 : i32
      %dma_wait3A_44 = tpu.memref_slice %arg2[%dma_wait3A_43] : memref<16777216xf32, #tpu.memory_space<hbm>> -> memref<16384xf32, #tpu.memory_space<hbm>>
      tpu.wait_dma2 semaphore(%arg12 : memref<!tpu.dma_semaphore, #tpu.memory_space<semaphore_mem>>) src(%dma_wait3A_44 : memref<16384xf32, #tpu.memory_space<hbm>>) dst(%arg8 : memref<16384xf32, #tpu.memory_space<vmem>>)
      %dma_wait3A_45 = arith.constant 0 : i32
      %dma_wait3A_46 = tpu.memref_slice %arg3[%dma_wait3A_45] : memref<16777216xf32, #tpu.memory_space<hbm>> -> memref<16384xf32, #tpu.memory_space<hbm>>
      %dma_wait3A_47 = arith.constant 0 : i32
      %dma_wait3A_48 = tpu.memref_slice %arg3[%dma_wait3A_47] : memref<16777216xf32, #tpu.memory_space<hbm>> -> memref<16384xf32, #tpu.memory_space<hbm>>
      tpu.wait_dma2 semaphore(%arg12 : memref<!tpu.dma_semaphore, #tpu.memory_space<semaphore_mem>>) src(%dma_wait3A_48 : memref<16384xf32, #tpu.memory_space<hbm>>) dst(%arg10 : memref<16384xf32, #tpu.memory_space<vmem>>)
      %parallel_loop3A_49 = arith.constant 0 : i32
      %parallel_loop3A_50 = arith.constant 256 : i32
      %parallel_loop3A_51 = arith.constant 1 : i32
      %parallel_loop3A_52:4 = scf.for %parallel_loop3A_58 = %parallel_loop3A_49 to %parallel_loop3A_50 step %parallel_loop3A_51 iter_args(%parallel_loop3A_59 = %parallel_loop3A_38#0, %parallel_loop3A_60 = %parallel_loop3A_38#1, %parallel_loop3A_61 = %parallel_loop3A_38#2, %parallel_loop3A_62 = %parallel_loop3A_38#3) -> (vector<16xf32>, vector<16xf32>, vector<16xf32>, vector<16xf32>)  : i32 {
        %parallel_loop3A_63 = arith.constant 64 : i32
        %parallel_loop3A_64 = arith.muli %parallel_loop3A_58, %parallel_loop3A_63 : i32
        %parallel_loop3A_65 = arith.constant 0 : i32
        %parallel_loop3A_66 = arith.addi %parallel_loop3A_64, %parallel_loop3A_65 : i32
        %parallel_loop3A_67 = arith.index_cast %parallel_loop3A_66 : i32 to index
        %parallel_loop3A_68 = tpu.vector_load %arg10[%parallel_loop3A_67] {strides = array<i32>} : memref<16384xf32, #tpu.memory_space<vmem>>, vector<16xf32>,
        %parallel_loop3A_69 = arith.index_cast %parallel_loop3A_66 : i32 to index
        %parallel_loop3A_70 = tpu.vector_load %arg8[%parallel_loop3A_69] {strides = array<i32>} : memref<16384xf32, #tpu.memory_space<vmem>>, vector<16xf32>,
        %parallel_loop3A_71 = arith.constant 18.2142849 : f32
        %parallel_loop3A_72 = vector.broadcast %parallel_loop3A_71 : f32 to vector<16xf32>
        %parallel_loop3A_73 = arith.mulf %parallel_loop3A_68, %parallel_loop3A_72 : vector<16xf32>
        %parallel_loop3A_74 = arith.constant 1.275000e+02 : f32
        %parallel_loop3A_75 = vector.broadcast %parallel_loop3A_74 : f32 to vector<16xf32>
        %parallel_loop3A_76 = arith.addf %parallel_loop3A_73, %parallel_loop3A_75 : vector<16xf32>
        %parallel_loop3A_77 = arith.constant 0.000000e+00 : f32
        %parallel_loop3A_78 = vector.broadcast %parallel_loop3A_77 : f32 to vector<16xf32>
        %parallel_loop3A_79 = arith.maximumf %parallel_loop3A_76, %parallel_loop3A_78 : vector<16xf32>
        %parallel_loop3A_80 = arith.constant 2.550000e+02 : f32
        %parallel_loop3A_81 = vector.broadcast %parallel_loop3A_80 : f32 to vector<16xf32>
        %parallel_loop3A_82 = arith.minimumf %parallel_loop3A_79, %parallel_loop3A_81 : vector<16xf32>
        %parallel_loop3A_83 = arith.constant 0x4B400000 : f32
        %parallel_loop3A_84 = vector.broadcast %parallel_loop3A_83 : f32 to vector<16xf32>
        %parallel_loop3A_85 = arith.addf %parallel_loop3A_82, %parallel_loop3A_84 : vector<16xf32>
        %parallel_loop3A_86 = tpu.bitcast %parallel_loop3A_85 : vector<16xf32> -> vector<16xi32>
        %parallel_loop3A_87 = arith.constant 255 : i32
        %parallel_loop3A_88 = vector.broadcast %parallel_loop3A_87 : i32 to vector<16xi32>
        %parallel_loop3A_89 = arith.andi %parallel_loop3A_86, %parallel_loop3A_88 : vector<16xi32>
        %parallel_loop3A_90 = tpu.vector_load_idx %arg6[%parallel_loop3A_89] : memref<256xf32, #tpu.memory_space<vmem>>[vector<16xi32>], vector<16xf32>,
        %parallel_loop3A_91 = arith.subf %parallel_loop3A_70, %parallel_loop3A_68 : vector<16xf32>
        %parallel_loop3A_92 = arith.mulf %parallel_loop3A_91, %parallel_loop3A_91 : vector<16xf32>
        %parallel_loop3A_93 = arith.mulf %parallel_loop3A_90, %parallel_loop3A_92 : vector<16xf32>
        %parallel_loop3A_94 = arith.addf %parallel_loop3A_59, %parallel_loop3A_93 : vector<16xf32>
        %parallel_loop3A_95 = arith.constant 16 : i32
        %parallel_loop3A_96 = arith.addi %parallel_loop3A_64, %parallel_loop3A_95 : i32
        %parallel_loop3A_97 = arith.index_cast %parallel_loop3A_96 : i32 to index
        %parallel_loop3A_98 = tpu.vector_load %arg10[%parallel_loop3A_97] {strides = array<i32>} : memref<16384xf32, #tpu.memory_space<vmem>>, vector<16xf32>,
        %parallel_loop3A_99 = arith.index_cast %parallel_loop3A_96 : i32 to index
        %parallel_loop3A_100 = tpu.vector_load %arg8[%parallel_loop3A_99] {strides = array<i32>} : memref<16384xf32, #tpu.memory_space<vmem>>, vector<16xf32>,
        %parallel_loop3A_101 = arith.constant 18.2142849 : f32
        %parallel_loop3A_102 = vector.broadcast %parallel_loop3A_101 : f32 to vector<16xf32>
        %parallel_loop3A_103 = arith.mulf %parallel_loop3A_98, %parallel_loop3A_102 : vector<16xf32>
        %parallel_loop3A_104 = arith.constant 1.275000e+02 : f32
        %parallel_loop3A_105 = vector.broadcast %parallel_loop3A_104 : f32 to vector<16xf32>
        %parallel_loop3A_106 = arith.addf %parallel_loop3A_103, %parallel_loop3A_105 : vector<16xf32>
        %parallel_loop3A_107 = arith.constant 0.000000e+00 : f32
        %parallel_loop3A_108 = vector.broadcast %parallel_loop3A_107 : f32 to vector<16xf32>
        %parallel_loop3A_109 = arith.maximumf %parallel_loop3A_106, %parallel_loop3A_108 : vector<16xf32>
        %parallel_loop3A_110 = arith.constant 2.550000e+02 : f32
        %parallel_loop3A_111 = vector.broadcast %parallel_loop3A_110 : f32 to vector<16xf32>
        %parallel_loop3A_112 = arith.minimumf %parallel_loop3A_109, %parallel_loop3A_111 : vector<16xf32>
        %parallel_loop3A_113 = arith.constant 0x4B400000 : f32
        %parallel_loop3A_114 = vector.broadcast %parallel_loop3A_113 : f32 to vector<16xf32>
        %parallel_loop3A_115 = arith.addf %parallel_loop3A_112, %parallel_loop3A_114 : vector<16xf32>
        %parallel_loop3A_116 = tpu.bitcast %parallel_loop3A_115 : vector<16xf32> -> vector<16xi32>
        %parallel_loop3A_117 = arith.constant 255 : i32
        %parallel_loop3A_118 = vector.broadcast %parallel_loop3A_117 : i32 to vector<16xi32>
        %parallel_loop3A_119 = arith.andi %parallel_loop3A_116, %parallel_loop3A_118 : vector<16xi32>
        %parallel_loop3A_120 = tpu.vector_load_idx %arg6[%parallel_loop3A_119] : memref<256xf32, #tpu.memory_space<vmem>>[vector<16xi32>], vector<16xf32>,
        %parallel_loop3A_121 = arith.subf %parallel_loop3A_100, %parallel_loop3A_98 : vector<16xf32>
        %parallel_loop3A_122 = arith.mulf %parallel_loop3A_121, %parallel_loop3A_121 : vector<16xf32>
        %parallel_loop3A_123 = arith.mulf %parallel_loop3A_120, %parallel_loop3A_122 : vector<16xf32>
        %parallel_loop3A_124 = arith.addf %parallel_loop3A_60, %parallel_loop3A_123 : vector<16xf32>
        %parallel_loop3A_125 = arith.constant 32 : i32
        %parallel_loop3A_126 = arith.addi %parallel_loop3A_64, %parallel_loop3A_125 : i32
        %parallel_loop3A_127 = arith.index_cast %parallel_loop3A_126 : i32 to index
        %parallel_loop3A_128 = tpu.vector_load %arg10[%parallel_loop3A_127] {strides = array<i32>} : memref<16384xf32, #tpu.memory_space<vmem>>, vector<16xf32>,
        %parallel_loop3A_129 = arith.index_cast %parallel_loop3A_126 : i32 to index
        %parallel_loop3A_130 = tpu.vector_load %arg8[%parallel_loop3A_129] {strides = array<i32>} : memref<16384xf32, #tpu.memory_space<vmem>>, vector<16xf32>,
        %parallel_loop3A_131 = arith.constant 18.2142849 : f32
        %parallel_loop3A_132 = vector.broadcast %parallel_loop3A_131 : f32 to vector<16xf32>
        %parallel_loop3A_133 = arith.mulf %parallel_loop3A_128, %parallel_loop3A_132 : vector<16xf32>
        %parallel_loop3A_134 = arith.constant 1.275000e+02 : f32
        %parallel_loop3A_135 = vector.broadcast %parallel_loop3A_134 : f32 to vector<16xf32>
        %parallel_loop3A_136 = arith.addf %parallel_loop3A_133, %parallel_loop3A_135 : vector<16xf32>
        %parallel_loop3A_137 = arith.constant 0.000000e+00 : f32
        %parallel_loop3A_138 = vector.broadcast %parallel_loop3A_137 : f32 to vector<16xf32>
        %parallel_loop3A_139 = arith.maximumf %parallel_loop3A_136, %parallel_loop3A_138 : vector<16xf32>
        %parallel_loop3A_140 = arith.constant 2.550000e+02 : f32
        %parallel_loop3A_141 = vector.broadcast %parallel_loop3A_140 : f32 to vector<16xf32>
        %parallel_loop3A_142 = arith.minimumf %parallel_loop3A_139, %parallel_loop3A_141 : vector<16xf32>
        %parallel_loop3A_143 = arith.constant 0x4B400000 : f32
        %parallel_loop3A_144 = vector.broadcast %parallel_loop3A_143 : f32 to vector<16xf32>
        %parallel_loop3A_145 = arith.addf %parallel_loop3A_142, %parallel_loop3A_144 : vector<16xf32>
        %parallel_loop3A_146 = tpu.bitcast %parallel_loop3A_145 : vector<16xf32> -> vector<16xi32>
        %parallel_loop3A_147 = arith.constant 255 : i32
        %parallel_loop3A_148 = vector.broadcast %parallel_loop3A_147 : i32 to vector<16xi32>
        %parallel_loop3A_149 = arith.andi %parallel_loop3A_146, %parallel_loop3A_148 : vector<16xi32>
        %parallel_loop3A_150 = tpu.vector_load_idx %arg6[%parallel_loop3A_149] : memref<256xf32, #tpu.memory_space<vmem>>[vector<16xi32>], vector<16xf32>,
        %parallel_loop3A_151 = arith.subf %parallel_loop3A_130, %parallel_loop3A_128 : vector<16xf32>
        %parallel_loop3A_152 = arith.mulf %parallel_loop3A_151, %parallel_loop3A_151 : vector<16xf32>
        %parallel_loop3A_153 = arith.mulf %parallel_loop3A_150, %parallel_loop3A_152 : vector<16xf32>
        %parallel_loop3A_154 = arith.addf %parallel_loop3A_61, %parallel_loop3A_153 : vector<16xf32>
        %parallel_loop3A_155 = arith.constant 48 : i32
        %parallel_loop3A_156 = arith.addi %parallel_loop3A_64, %parallel_loop3A_155 : i32
        %parallel_loop3A_157 = arith.index_cast %parallel_loop3A_156 : i32 to index
        %parallel_loop3A_158 = tpu.vector_load %arg10[%parallel_loop3A_157] {strides = array<i32>} : memref<16384xf32, #tpu.memory_space<vmem>>, vector<16xf32>,
        %parallel_loop3A_159 = arith.index_cast %parallel_loop3A_156 : i32 to index
        %parallel_loop3A_160 = tpu.vector_load %arg8[%parallel_loop3A_159] {strides = array<i32>} : memref<16384xf32, #tpu.memory_space<vmem>>, vector<16xf32>,
        %parallel_loop3A_161 = arith.constant 18.2142849 : f32
        %parallel_loop3A_162 = vector.broadcast %parallel_loop3A_161 : f32 to vector<16xf32>
        %parallel_loop3A_163 = arith.mulf %parallel_loop3A_158, %parallel_loop3A_162 : vector<16xf32>
        %parallel_loop3A_164 = arith.constant 1.275000e+02 : f32
        %parallel_loop3A_165 = vector.broadcast %parallel_loop3A_164 : f32 to vector<16xf32>
        %parallel_loop3A_166 = arith.addf %parallel_loop3A_163, %parallel_loop3A_165 : vector<16xf32>
        %parallel_loop3A_167 = arith.constant 0.000000e+00 : f32
        %parallel_loop3A_168 = vector.broadcast %parallel_loop3A_167 : f32 to vector<16xf32>
        %parallel_loop3A_169 = arith.maximumf %parallel_loop3A_166, %parallel_loop3A_168 : vector<16xf32>
        %parallel_loop3A_170 = arith.constant 2.550000e+02 : f32
        %parallel_loop3A_171 = vector.broadcast %parallel_loop3A_170 : f32 to vector<16xf32>
        %parallel_loop3A_172 = arith.minimumf %parallel_loop3A_169, %parallel_loop3A_171 : vector<16xf32>
        %parallel_loop3A_173 = arith.constant 0x4B400000 : f32
        %parallel_loop3A_174 = vector.broadcast %parallel_loop3A_173 : f32 to vector<16xf32>
        %parallel_loop3A_175 = arith.addf %parallel_loop3A_172, %parallel_loop3A_174 : vector<16xf32>
        %parallel_loop3A_176 = tpu.bitcast %parallel_loop3A_175 : vector<16xf32> -> vector<16xi32>
        %parallel_loop3A_177 = arith.constant 255 : i32
        %parallel_loop3A_178 = vector.broadcast %parallel_loop3A_177 : i32 to vector<16xi32>
        %parallel_loop3A_179 = arith.andi %parallel_loop3A_176, %parallel_loop3A_178 : vector<16xi32>
        %parallel_loop3A_180 = tpu.vector_load_idx %arg6[%parallel_loop3A_179] : memref<256xf32, #tpu.memory_space<vmem>>[vector<16xi32>], vector<16xf32>,
        %parallel_loop3A_181 = arith.subf %parallel_loop3A_160, %parallel_loop3A_158 : vector<16xf32>
        %parallel_loop3A_182 = arith.mulf %parallel_loop3A_181, %parallel_loop3A_181 : vector<16xf32>
        %parallel_loop3A_183 = arith.mulf %parallel_loop3A_180, %parallel_loop3A_182 : vector<16xf32>
        %parallel_loop3A_184 = arith.addf %parallel_loop3A_62, %parallel_loop3A_183 : vector<16xf32>
        scf.yield %parallel_loop3A_94, %parallel_loop3A_124, %parallel_loop3A_154, %parallel_loop3A_184 : vector<16xf32>, vector<16xf32>, vector<16xf32>, vector<16xf32>
      } {sc.loop_unroll_factor = 4 : i64, sc.parallel_access}
      %lt3A_53 = arith.constant 15 : i32
      %lt3A_54 = arith.cmpi slt, %scan3A_24, %lt3A_53 : i32
      %convert_element_type3A_55 = arith.extui %lt3A_54 : i1 to i32
      %cond3A_56 = arith.constant 0 : i32
      %cond3A_57 = arith.cmpi ne, %convert_element_type3A_55, %cond3A_56 : i32
      scf.if %cond3A_57 {
        %mul3A_58 = arith.constant 2 : i32
        %mul3A_59 = arith.muli %mul3A_58, %scan3A_24 : i32
        %add3A_60 = arith.constant 3 : i32
        %add3A_61 = arith.addi %mul3A_59, %add3A_60 : i32
        %mul3A_62 = arith.constant 16384 : i32
        %mul3A_63 = arith.muli %add3A_61, %mul3A_62 : i32
        %add3A_64 = arith.addi %mul3A_2, %mul3A_63 : i32
        %dma_start3A_65 = tpu.memref_slice %arg2[%add3A_64] : memref<16777216xf32, #tpu.memory_space<hbm>> -> memref<16384xf32, #tpu.memory_space<hbm>>
        %dma_start3A_66 = tpu.memref_slice %arg2[%add3A_64] : memref<16777216xf32, #tpu.memory_space<hbm>> -> memref<16384xf32, #tpu.memory_space<hbm>>
        tpu.enqueue_dma source(%dma_start3A_66 : memref<16384xf32, #tpu.memory_space<hbm>>) target(%arg8 : memref<16384xf32, #tpu.memory_space<vmem>>) target_semaphore(%arg12 : memref<!tpu.dma_semaphore, #tpu.memory_space<semaphore_mem>>)
        %dma_start3A_67 = tpu.memref_slice %arg3[%add3A_64] : memref<16777216xf32, #tpu.memory_space<hbm>> -> memref<16384xf32, #tpu.memory_space<hbm>>
        %dma_start3A_68 = tpu.memref_slice %arg3[%add3A_64] : memref<16777216xf32, #tpu.memory_space<hbm>> -> memref<16384xf32, #tpu.memory_space<hbm>>
        tpu.enqueue_dma source(%dma_start3A_68 : memref<16384xf32, #tpu.memory_space<hbm>>) target(%arg10 : memref<16384xf32, #tpu.memory_space<vmem>>) target_semaphore(%arg12 : memref<!tpu.dma_semaphore, #tpu.memory_space<semaphore_mem>>)
      } else {
      }
      scf.yield %parallel_loop3A_52#0, %parallel_loop3A_52#1, %parallel_loop3A_52#2, %parallel_loop3A_52#3 : vector<16xf32>, vector<16xf32>, vector<16xf32>, vector<16xf32>
    }
    %scan3A_19 = arith.constant 16 : i32
    %add3A_20 = arith.addf %scan3A_18#0, %scan3A_18#1 : vector<16xf32>
    %add3A_21 = arith.addf %scan3A_18#2, %scan3A_18#3 : vector<16xf32>
    %add3A_22 = arith.addf %add3A_20, %add3A_21 : vector<16xf32>
    %swap3A = arith.constant 0 : index
    %swap3A_23 = tpu.vector_load %arg13[%swap3A] {strides = array<i32>} : memref<16xf32, #tpu.memory_space<vmem>>, vector<16xf32>,
    tpu.vector_store %arg13[%swap3A], %add3A_22 {strides = array<i32>} : memref<16xf32, #tpu.memory_space<vmem>>, vector<16xf32>,
    "tpu.region"() ({
      %run_scoped3A = tpu.sem_alloc : memref<!tpu.dma_semaphore, #tpu.memory_space<semaphore_mem>>
      %dma_start3A_24 = arith.constant 0 : i32
      %dma_start3A_25 = tpu.memref_slice %arg5[%add3A, %dma_start3A_24] : memref<32x16xf32, #tpu.memory_space<hbm>> -> memref<1x16xf32, #tpu.memory_space<hbm>>
      %dma_start3A_26 = tpu.memref_squeeze %dma_start3A_25 : memref<1x16xf32, #tpu.memory_space<hbm>> -> memref<16xf32, #tpu.memory_space<hbm>>
      %dma_start3A_27 = arith.constant 0 : i32
      %dma_start3A_28 = tpu.memref_slice %arg5[%add3A, %dma_start3A_27] : memref<32x16xf32, #tpu.memory_space<hbm>> -> memref<1x16xf32, #tpu.memory_space<hbm>>
      %dma_start3A_29 = tpu.memref_squeeze %dma_start3A_28 : memref<1x16xf32, #tpu.memory_space<hbm>> -> memref<16xf32, #tpu.memory_space<hbm>>
      tpu.enqueue_dma source(%arg13 : memref<16xf32, #tpu.memory_space<vmem>>) target(%dma_start3A_29 : memref<16xf32, #tpu.memory_space<hbm>>) target_semaphore(%run_scoped3A : memref<!tpu.dma_semaphore, #tpu.memory_space<semaphore_mem>>)
      %dma_wait3A = arith.constant 0 : i32
      %dma_wait3A_30 = tpu.memref_slice %arg5[%add3A, %dma_wait3A] : memref<32x16xf32, #tpu.memory_space<hbm>> -> memref<1x16xf32, #tpu.memory_space<hbm>>
      %dma_wait3A_31 = tpu.memref_squeeze %dma_wait3A_30 : memref<1x16xf32, #tpu.memory_space<hbm>> -> memref<16xf32, #tpu.memory_space<hbm>>
      %dma_wait3A_32 = arith.constant 0 : i32
      %dma_wait3A_33 = tpu.memref_slice %arg5[%add3A, %dma_wait3A_32] : memref<32x16xf32, #tpu.memory_space<hbm>> -> memref<1x16xf32, #tpu.memory_space<hbm>>
      %dma_wait3A_34 = tpu.memref_squeeze %dma_wait3A_33 : memref<1x16xf32, #tpu.memory_space<hbm>> -> memref<16xf32, #tpu.memory_space<hbm>>
      tpu.wait_dma2 semaphore(%run_scoped3A : memref<!tpu.dma_semaphore, #tpu.memory_space<semaphore_mem>>) src(%arg13 : memref<16xf32, #tpu.memory_space<vmem>>) dst(%dma_wait3A_34 : memref<16xf32, #tpu.memory_space<hbm>>)
      tpu.yield
    }) : () -> ()
    return
  }
}

</mosaic_0001>

<sc_bundles>
// kernel: kernel.3.cloned.1.call-start
scs
__scs_entry_jumppad:
0x0: {  	(pc) =	sbr.rel $0x88, $3  }
0x1: {  	(tag) =	ssettag $0x0;
	lr =	simm.s32 $0x1  }
0x2: {  	[smem:$0x3F9E] =	sst lr;
	_ =	strace $0xD0000000  }
0x3: {  	_ = 	snop  }
0x4: {  	_ = 	snop  }
0x5: {  	_ = 	snop  }
0x6: {  	_ = 	snop  }
0x7: {  	_ = 	snop  }
__scs_overlays_trampoline_lowered:
0x8: {  	[smem:$0x3FAD] =	sst s0  }
0x9: {  	[smem:$0x3FAE] =	sst s1  }
0xa: {  	[smem:$0x3FAF] =	sst s2  }
0xb: {  	[smem:$0x3FB0] =	sst s3  }
0xc: {  	[smem:$0x3FB1] =	sst s4  }
0xd: {  	[smem:$0x3FB2] =	sst s5  }
0xe: {  	[smem:$0x3FB3] =	sst s6  }
0xf: {  	[smem:$0x3FB4] =	sst s7  }
0x10: {  	[smem:$0x3FB5] =	sst s8  }
0x11: {  	[smem:$0x3FB6] =	sst s9;
	s0 =	simm.s32 @!p0 $0x0  }
0x12: {  	s1 =	sld [smem:$0x3F9C];
	s0 =	simm.s32 @p0 $0x1  }
0x13: {  	[smem:$0x3FB7] =	sst s0;
	s0 =	simm.s32 @!p1 $0x0  }
0x14: {  	s2 =	sld [smem:$0x3F9B];
	s0 =	simm.s32 @p1 $0x1  }
0x15: {  	[smem:$0x3FB8] =	sst s0;
	s0 =	simm.s32 @!p2 $0x0  }
0x16: {  	s3 =	sld [smem:$0x3FDB];
	s0 =	simm.s32 @p2 $0x1  }
0x17: {  	s4 =	simm.s32 $0x1BF5;
	[smem:$0x3FBA] =	sst s0  }
0x18: {  	s0 =	sld [smem:$0x3F9D];
	_ =	swait.ge [sflag:s4], $0x0  }
0x19: {  	s7 =	sld [smem:$0x3F9E]  }
0x1a: {  	s8 =	sadd.s32 $0xFFFFE003, lr  }
0x1b: {  	s9 =	sadd.s32 $0xFFFFFEF7, lr;
	s5 =	simm.s32 $0xFFFFFFFF;
	p2 =	slt.u32 s8, $0xFFFFF086  }
0x1c: {  	p1 =	slt.u32 s9, $0xF7A;
	s5 =	simm.s32 @!p2 $0x0  }
0x1d: {  	s5 =	simm.s32 @p1 $0x1;
	p0 =	seq.s32 s7, s2  }
0x1e: {  	s7 =	smul.u32 @!p0 $0xF7A, s2;
	p2 =	seq.s32 @!p0 s5, $0x0  }
0x1f: {  	s9 =	smul.u32 $0xF7A, s1;
	s8 =	simm.s32 @!p0 $0x1BF5;
	p2 =	por !p2, p0  }
0x20: {  	[sflag:s8] =	ssyncset.s32 @!p0 $0xFFFFF086;
	s6 =	sadd.s32 @!p0 s3, s7;
	s7 =	simm.s32 @!p0 $0x108  }
0x21: {  	s3 =	sadd.s32 s3, s9;
	s6 =	sadd.s32 @!p0 $0x88, s6;
	s7 =	simm.s32 @p2 $0x1082  }
0x22: {  	[simem:s7], [sflag:s8] =	dma.local @!p0 [hbm:s6], $0xF7A  }
0x23: {  	s9 =	sor.u32 $0xD0000000, s2;
	s6 =	simm.s32 $0x108;
	_ =	swait.ge @!p0 [sflag:s8], $0x0  }
0x24: {  	s3 =	sadd.s32 $0x88, s3;
	s6 =	simm.s32 @!p1 $0x1082;
	[sflag:s4] =	ssyncset.s32 $0xFFFFF086  }
0x25: {  	[simem:s6], [sflag:s4] =	dma.local [hbm:s3], $0xF7A  }
0x26: {  	[smem:$0x3F9E] =	sst s1;
	(tag) =	ssettag s2;
	_ =	strace s9  }
0x27: {  	s1 =	sld [smem:$0x3FAE]  }
0x28: {  	s2 =	sld [smem:$0x3FAF]  }
0x29: {  	s4 =	sld [smem:$0x3FB1]  }
0x2a: {  	p0 =	seq.s32 s5, $0x0;
	s5 =	sld [smem:$0x3FB2]  }
0x2b: {  	s6 =	sld [smem:$0x3FB3]  }
0x2c: {  	s7 =	sld [smem:$0x3FB4]  }
0x2d: {  	s3 =	simm.s32 $0x108;
	s8 =	sld [smem:$0x3FB5]  }
0x2e: {  	s3 =	simm.s32 @!p0 $0x1082;
	s9 =	sld [smem:$0x3FB6]  }
0x2f: {  	lr =	sadd.s32 s0, s3;
	s0 =	sld [smem:$0x3FAD]  }
0x30: {  	s3 =	sld [smem:$0x3FB0]  }
0x31: {  	[smem:$0x3FB9] =	sst s10  }
0x32: {  	s10 =	sld [smem:$0x3FB7];
	_ =	sdelay $0x3  }
0x33: {  	p0 =	seq.s32 s10, $0x1;
	s10 =	sld [smem:$0x3FB9];
	_ =	sdelay $0x3  }
0x34: {  	[smem:$0x3FB9] =	sst s10  }
0x35: {  	s10 =	sld [smem:$0x3FB8];
	_ =	sdelay $0x3  }
0x36: {  	p1 =	seq.s32 s10, $0x1;
	s10 =	sld [smem:$0x3FB9];
	_ =	sdelay $0x3  }
0x37: {  	[smem:$0x3FB9] =	sst s10  }
0x38: {  	s10 =	sld [smem:$0x3FBA]  }
0x39: {  	_ = 	snop;
	(pc) =	sbr.ind lr, $3  }
0x3a: {  	_ = 	snop  }
0x3b: {  	_ = 	snop  }
0x3c: {  	p2 =	seq.s32 s10, $0x1;
	s10 =	sld [smem:$0x3FB9]  }
0x3d: {  	_ =	shalt  }
0x3e: {  	_ =	shalt  }
0x3f: {  	_ =	shalt  }
0x40: {  	_ =	shalt  }
0x41: {  	_ =	shalt  }
0x42: {  	_ =	shalt  }
0x43: {  	_ =	shalt  }
0x44: {  	_ =	shalt  }
0x45: {  	_ =	shalt  }
0x46: {  	_ =	shalt  }
0x47: {  	_ =	shalt  }
0x48: {  	_ =	shalt  }
0x49: {  	_ =	shalt  }
0x4a: {  	_ =	shalt  }
0x4b: {  	_ =	shalt  }
0x4c: {  	_ =	shalt  }
0x4d: {  	_ =	shalt  }
0x4e: {  	_ =	shalt  }
0x4f: {  	_ =	shalt  }
0x50: {  	_ =	shalt  }
0x51: {  	_ =	shalt  }
0x52: {  	_ =	shalt  }
0x53: {  	_ =	shalt  }
0x54: {  	_ =	shalt  }
0x55: {  	_ =	shalt  }
0x56: {  	_ =	shalt  }
0x57: {  	_ =	shalt  }
0x58: {  	_ =	shalt  }
0x59: {  	_ =	shalt  }
0x5a: {  	_ =	shalt  }
0x5b: {  	_ =	shalt  }
0x5c: {  	_ =	shalt  }
0x5d: {  	_ =	shalt  }
0x5e: {  	_ =	shalt  }
0x5f: {  	_ =	shalt  }
0x60: {  	_ =	shalt  }
0x61: {  	_ =	shalt  }
0x62: {  	_ =	shalt  }
0x63: {  	_ =	shalt  }
0x64: {  	_ =	shalt  }
0x65: {  	_ =	shalt  }
0x66: {  	_ =	shalt  }
0x67: {  	_ =	shalt  }
0x68: {  	_ =	shalt  }
0x69: {  	_ =	shalt  }
0x6a: {  	_ =	shalt  }
0x6b: {  	_ =	shalt  }
0x6c: {  	_ =	shalt  }
0x6d: {  	_ =	shalt  }
0x6e: {  	_ =	shalt  }
0x6f: {  	_ =	shalt  }
0x70: {  	_ =	shalt  }
0x71: {  	_ =	shalt  }
0x72: {  	_ =	shalt  }
0x73: {  	_ =	shalt  }
0x74: {  	_ =	shalt  }
0x75: {  	_ =	shalt  }
0x76: {  	_ =	shalt  }
0x77: {  	_ =	shalt  }
0x78: {  	_ =	shalt  }
0x79: {  	_ =	shalt  }
0x7a: {  	_ =	shalt  }
0x7b: {  	_ =	shalt  }
0x7c: {  	_ =	shalt  }
0x7d: {  	_ =	shalt  }
0x7e: {  	_ =	shalt  }
0x7f: {  	_ =	shalt  }
0x80: {  	_ =	shalt  }
0x81: {  	_ =	shalt  }
0x82: {  	_ =	shalt  }
0x83: {  	_ =	shalt  }
0x84: {  	_ =	shalt  }
0x85: {  	_ =	shalt  }
0x86: {  	_ =	shalt  }
0x87: {  	_ =	shalt  }
.Lfunc_end0:
.L_simem_size_0:
called_computation_lowered:
.L_overlay_start_0:
0x88: {  	s2 =	sld [smem:$0x3FD9]  }
0x89: {  	s3 =	sld [smem:$0x3FFE];
	_ =	sdelay $0x1  }
0x8a: {  	s1 =	srdreg.scid  }
0x8b: {  	s0 =	sand.u32 $0x1, s1  }
0x8c: {  	s17 =	sshll.u32 s0, $0xA;
	s2 =	sadd.s32 s3, s2  }
0x8d: {  	s2 =	sadd.s32 s2, s17  }
0x8e: {  	[smem:$0x3FC5] =	sst s2  }
0x8f: {  	_ = 	snop  }
0x90: {  	s2 =	sld [smem:$0x3FC9]  }
0x91: {  	s18 =	sld [smem:$0x3FC8]  }
0x92: {  	s4 =	sld [smem:$0x3FC7];
	(tm) =	ssettm $0x1  }
0x93: {  	s5 =	sld [smem:$0x3FFB];
	_ =	sdelay $0x3  }
0x94: {  	_ =	strace s5  }
0x95: {  	s5 =	sld [smem:$0x3FFC];
	_ =	sdelay $0x3  }
0x96: {  	_ =	strace s5  }
0x97: {  	s5 =	sld [smem:$0x3FFD];
	_ =	sdelay $0x3  }
0x98: {  	_ =	strace s5  }
0x99: {  	_ =	strace $0x8FFFFFFF  }
0x9a: {  	s19 =	sld [smem:$0x3FDB];
	_ =	sdelay $0x1  }
0x9b: {  	s6 =	simm.s32 $_scs_section_size  }
0x9c: {  	s7 =	simm.s32 $_size__tile_overlayer_lowered;
	s8 =	simm.s32 $_tile_overlayer_lowered  }
0x9d: {  	s22 =	simm.s32 $0x1BFF;
	s21 =	sshll.u32 s8, $0x1;
	s5 =	sadd.s32 s6, s19  }
0x9e: {  	s9 =	simm.s32 $0x0;
	s20 =	sshll.u32 s7, $0x1;
	s7 =	sadd.s32 s21, s5  }
0x9f: {  	[timem:s9], [sflag:s22] =	dma.local [hbm:s7], s20  }
0xa0: {  	_ =	swait.ge [sflag:s22], s20  }
0xa1: {  	s6 =	ssub.s32 $0x0, s20;
	[sflag:s22] =	ssyncset.done $0x0  }
0xa2: {  	[sflag:s22] =	ssyncadd.s32 s6;
	_ =	sdelay $0x1  }
0xa3: {  	s23 =	simm.s32 $0x1B8B  }
0xa4: {  	_ =	swait.ge [sflag:s23], $0x1  }
0xa5: {  	[sflag:s23] =	ssyncset.done $0x0  }
0xa6: {  	s25 =	simm.s32 $0x1B8E;
	s24 =	sld [smem:$0x3FFE];
	[sflag:s23] =	ssyncadd.s32 $0xFFFFFFFF  }
0xa7: {  	s26 =	simm.s32 $execute0_lowered;
	[smem:$0x3FD2] =	sst s25  }
0xa8: {  	s7 =	sshll.u32 s26, $0x1;
	_ =	strace $0x80000046;
	[dreg:$0x1] =	wrdreg $0xFFFFFFFF  }
0xa9: {  	s28 =	simm.s32 $_size_execute0_lowered;
	s5 =	sadd.s32 s5, s7;
	[dreg:$0x0] =	wrdreg $0x0  }
0xaa: {  	s7 =	sshll.u32 s28, $0x1;
	[dreg:$0x2] =	wrdreg s5  }
0xab: {  	[dreg:$0x3] =	wrdreg s7  }
0xac: {  	[dreg:$0x4] =	wrdreg $0xC0  }
0xad: {  	_ =	task [dreg:s9], $0x5FFFF  }
0xae: {  	[dreg:$0x1] =	wrdreg $0xFFFFFFFF  }
0xaf: {  	[dreg:$0x0] =	wrdreg $0x60  }
0xb0: {  	[dreg:$0x2] =	wrdreg s2  }
0xb1: {  	[dreg:$0x3] =	wrdreg s18  }
0xb2: {  	[dreg:$0x4] =	wrdreg s4  }
0xb3: {  	[dreg:$0x5] =	wrdreg s24  }
0xb4: {  	[dreg:$0x6] =	wrdreg $0x9  }
0xb5: {  	_ =	task.clear_ibuf [dreg:s9], $0x7FFFF;
	_ =	strace $0x90000046  }
0xb6: {  	s29 =	simm.s32 $0x9;
	_ =	strace $0x80000048  }
0xb7: {  	_ =	swait.ge [sflag:s29], $0x1  }
0xb8: {  	[sflag:s29] =	ssyncadd.s32 $0xFFFFFFFF  }
0xb9: {  	_ =	strace $0x90000048  }
0xba: {  	_ =	sfence  }
0xbb: {  	s30 =	sld [smem:$0x0];
	_ =	sdelay $0x2  }
0xbc: {  	s31 =	sshll.u32 s1, $0xD;
	s1 =	sshrl.u32 s1, $0x2  }
0xbd: {  	s3 =	sand.u32 $0x4000, s31;
	s1 =	sadd.s32 s1, s30  }
0xbe: {  	s0 =	sor.u32 s3, s0;
	s1 =	sshll.u32 s1, $0x11  }
0xbf: {  	s0 =	sor.u32 s1, s0  }
0xc0: {  	s0 =	sadd.s32 $0x8F2B, s0  }
0xc1: {  	[sflag:s0] =	ssyncadd.remote.s32 $0x1  }
0xc2: {  	_ =	sfence.sel $0xFFFF  }
0xc3: {  	[dreg:$0x0] =	wrdreg $0xFFFFFFFF;
	(pc) =	sbr.abs _section_cstart, $3  }
0xc4: {  	[dreg:$0x1] =	wrdreg $0xFFFFFFFF  }
0xc5: {  	_ =	task.clear_ibuf [dreg:s9], $0x2FFFF;
	_ =	strace $0x9FFFFFFF  }
0xc6: {  	(tm) =	ssettm $0x7FFFFFFF  }
0xc7: {  	_ =	shalt  }
tec
execute0_lowered:
.L_overlay_start_1:
0x0: {  	(tag) =	ssettag $0x1  }
0x1: {  	s1 =	rddreg [dreg:$0x0]  }
0x2: {  	s2 =	rddreg [dreg:$0x1]  }
0x3: {  	s4 =	rddreg [dreg:$0x2]  }
0x4: {  	s12 =	rddreg [dreg:$0x3]  }
0x5: {  	s0 =	rddreg [dreg:$0x4]  }
0x6: {  	s6 =	srdreg.scid;
	s3 =	stileid.u32;
	s5 =	simm.s32 $0x0  }
0x7: {  	s16 =	simm.s32 $0x8100;
	s17 =	simm.s32 $0x4100;
	s18 =	simm.s32 $0xC100  }
0x8: {  	s19 =	simm.s32 $0x1;
	s20 =	simm.s32 $0x2;
	s21 =	simm.s32 $0x10100  }
0x9: {  	s22 =	simm.s32 $0x0;
	s6 =	sand.u32 $0x1, s6;
	s7 =	sshll.u32 s3, $0x1  }
0xa: {  	[smem:$0x7FF] =	sst s5;
	s8 =	ssub.s32 $0x2, s6;
	s11 =	sor.u32 s6, s7  }
0xb: {  	_ =	strace $0x80000047;
	s31 =	sshrl.u32 s8, $0x1;
	s7 =	sshll.u32 s11, $0x10  }
.Ltmp0:
0xc: {  	s14 =	sshll.u32 s11, $0x13;
	s15 =	sshll.u32 s11, $0x4;
	(pc) =	sbr.rel .LBB2_1-.Ltmp0, $4  }
0xd: {  	s13 =	ssub.s32 s8, s31;
	s9 =	sor.u32 $0x800, s7;
	s6 =	sadd.s32 s1, s7  }
0xe: {  	s7 =	sadd.s32 s2, s7;
	s10 =	sor.u32 $0x8000, s14;
	s11 =	sor.u32 $0xC000, s14  }
0xf: {  	s12 =	sadd.s32 s12, s15;
	s14 =	simm.s32 $0x3;
	s15 =	simm.s32 $0x100  }
0x10: {  	s8 =	sadd.s32 s1, s9;
	s9 =	sadd.s32 s2, s9;
	s13 =	smax.u32 s13, $0x1  }
.LBB2_8:
0x11: {  	v1 =	vadd.f32 v1, v10;
	v0 =	vadd.f32 v0, v2;
	_ =	sdelay $0x1  }
0x12: {  	s22 =	sadd.s32 $0x1, s22;
	v0 =	vadd.f32 v0, v1  }
0x13: {  	p0 =	sne.s32 s22, s13  }
.Ltmp1:
0x14: {  	[tilespmem:$0x10100] =	vst v0;
	(pc) =	sbr.rel @!p0 .LBB2_9-.Ltmp1, $4  }
0x15: {  	[hbm4b:s12+s5] =	stream.linear.scatter [tilespmem:s21], [sflag:$0x3], $0x80, $0x38;
	[tilespmem:$0x10180] =	vst v63  }
0x16: {  	_ =	swait.ge [sflag:s14], $0x80  }
0x17: {  	[sflag:s14] =	ssyncset.done $0x0  }
0x18: {  	[sflag:s14] =	ssyncadd.s32 $0xFFFFFF80  }
.LBB2_1:
0x19: {  	[tilespmem:s5], [sflag:$0x3] =	stream.linear.gather [hbm4b:s4+s5], $0x100, $0x38;
	[tilespmem:$0x10180] =	vst v63  }
0x1a: {  	_ =	swait.ge [sflag:s14], $0x100  }
0x1b: {  	[sflag:s14] =	ssyncset.done $0x0  }
0x1c: {  	[sflag:s14] =	ssyncadd.s32 $0xFFFFFF00  }
0x1d: {  	[tilespmem:s15], [sflag:$0x1] =	stream.linear.gather [hbm4b:s6+s5], $0x4000, $0x38;
	[tilespmem:$0x10180] =	vst v63  }
0x1e: {  	_ = 	snop  }
0x1f: {  	[tilespmem:s16], [sflag:$0x1] =	stream.linear.gather [hbm4b:s7+s5], $0x4000, $0x38;
	[tilespmem:$0x10180] =	vst v63  }
0x20: {  	_ = 	snop  }
0x21: {  	[tilespmem:s17], [sflag:$0x2] =	stream.linear.gather [hbm4b:s8+s5], $0x4000, $0x38;
	[tilespmem:$0x10180] =	vst v63  }
0x22: {  	v0 =	vimm.f32 $0.0e+00;
	s23 =	simm.s32 $0x0  }
0x23: {  	v2 =	vimm.f32 $0.0e+00;
	v1 =	vimm.f32 $0.0e+00;
	v10 =	vimm.f32 $0.0e+00;
	[tilespmem:s18], [sflag:$0x2] =	stream.linear.gather [hbm4b:s9+s5], $0x4000, $0x38;
	[tilespmem:$0x10180] =	vst v63  }
.LBB2_2:
0x24: {  	_ =	swait.ge [sflag:s19], $0x4000  }
0x25: {  	[sflag:s19] =	ssyncset.done $0x0  }
0x26: {  	[sflag:s19] =	ssyncadd.s32 $0xFFFFC000  }
0x27: {  	_ =	swait.ge [sflag:s19], $0x4000  }
0x28: {  	[sflag:s19] =	ssyncset.done $0x0  }
0x29: {  	s25 =	simm.s32 $0x8180;
	[sflag:s19] =	ssyncadd.s32 $0xFFFFC000  }
0x2a: {  	s24 =	simm.s32 $0x180;
	v4 =	vld [tilespmem:s25+$0xFFFFFF90]  }
0x2b: {  	v5 =	vld [tilespmem:s24+$0xFFFFFF80]  }
0x2c: {  	v9 =	vld [tilespmem:s25+$0x40]  }
0x2d: {  	v14 =	vld [tilespmem:s25+$0x0]  }
0x2e: {  	v3 =	vld [tilespmem:s25+$0x30]  }
0x2f: {  	v6 =	vld [tilespmem:s25+$0xFFFFFFC0]  }
0x30: {  	v8 =	vld [tilespmem:s25+$0xFFFFFF80]  }
0x31: {  	v7 =	vld [tilespmem:s25+$0x70]  }
0x32: {  	v11 =	vld [tilespmem:s25+$0x60]  }
0x33: {  	v18 =	vld [tilespmem:s25+$0xFFFFFFF0]  }
0x34: {  	v26 =	vld [tilespmem:s24+$0xFFFFFF90]  }
0x35: {  	v58 =	vld [tilespmem:s24+$0x40]  }
0x36: {  	v21 =	vld [tilespmem:s25+$0xFFFFFFE0];
	v12 =	vmul.f32 $1.821428490e+01, v4;
	v13 =	vmul.f32 $1.821428490e+01, v9  }
0x37: {  	v23 =	vld [tilespmem:s25+$0xFFFFFFB0];
	v15 =	vmul.f32 $1.821428490e+01, v14;
	v16 =	vmul.f32 $1.821428490e+01, v3  }
0x38: {  	v25 =	vld [tilespmem:s25+$0x50];
	v17 =	vmul.f32 $1.821428490e+01, v6;
	v19 =	vmul.f32 $1.821428490e+01, v8;
	v8 =	vsub.f32 v5, v8  }
0x39: {  	v30 =	vld [tilespmem:s25+$0xFFFFFFD0];
	v22 =	vmul.f32 $1.821428490e+01, v7;
	v24 =	vmul.f32 $1.821428490e+01, v11;
	v26 =	vsub.f32 v26, v4  }
0x3a: {  	v28 =	vmul.f32 $1.821428490e+01, v18;
	v9 =	vsub.f32 v58, v9;
	v12 =	vadd.f32 $1.275000000e+02, v12  }
0x3b: {  	v29 =	vmul.f32 $1.821428490e+01, v21;
	v13 =	vadd.f32 $1.275000000e+02, v13;
	v17 =	vadd.f32 $1.275000000e+02, v17  }
0x3c: {  	v33 =	vmul.f32 $1.821428490e+01, v23;
	v15 =	vadd.f32 $1.275000000e+02, v15;
	v19 =	vadd.f32 $1.275000000e+02, v19  }
0x3d: {  	v34 =	vmul.f32 $1.821428490e+01, v25;
	v16 =	vadd.f32 $1.275000000e+02, v16;
	v28 =	vadd.f32 $1.275000000e+02, v28  }
0x3e: {  	v35 =	vmul.f32 $1.821428490e+01, v30;
	v22 =	vadd.f32 $1.275000000e+02, v22;
	v4 =	vadd.f32 $1.275000000e+02, v33  }
0x3f: {  	v37 =	vmul.f32 v26, v26;
	v24 =	vadd.f32 $1.275000000e+02, v24;
	v8 =	vmul.f32 v8, v8  }
0x40: {  	v35 =	vadd.f32 $1.275000000e+02, v35;
	v34 =	vadd.f32 $1.275000000e+02, v34;
	v12 =	vmax.f32 v12, $0.0e+00  }
0x41: {  	v5 =	vld [tilespmem:s25+$0xFFFFFFA0];
	v17 =	vmax.f32 v17, $0.0e+00;
	v15 =	vmax.f32 v15, $0.0e+00;
	v19 =	vmax.f32 v19, $0.0e+00  }
0x42: {  	v32 =	vld [tilespmem:s24+$0xFFFFFFA0];
	v13 =	vmax.f32 v13, $0.0e+00;
	v28 =	vmax.f32 v28, $0.0e+00;
	v22 =	vmax.f32 v22, $0.0e+00  }
0x43: {  	v36 =	vmax.f32 v4, $0.0e+00;
	v35 =	vmax.f32 v35, $0.0e+00;
	v24 =	vmax.f32 v24, $0.0e+00  }
0x44: {  	v34 =	vmax.f32 v34, $0.0e+00;
	v16 =	vmax.f32 v16, $0.0e+00;
	v19 =	vmin.f32 v19, $2.550000000e+02  }
0x45: {  	v20 =	vmin.f32 v12, $2.550000000e+02;
	v17 =	vmin.f32 v17, $2.550000000e+02;
	v19 =	vadd.f32 $1.258291200e+07, v19  }
0x46: {  	v54 =	vld [tilespmem:s24+$0xFFFFFFC0];
	v27 =	vmul.f32 $1.821428490e+01, v5;
	v15 =	vmin.f32 v15, $2.550000000e+02;
	v28 =	vmin.f32 v28, $2.550000000e+02  }
0x47: {  	v56 =	vld [tilespmem:s24+$0x70];
	v32 =	vsub.f32 v32, v5;
	v22 =	vmin.f32 v22, $2.550000000e+02;
	v19 =	vand.u32 $0xFF, v19  }
0x48: {  	v38 =	vld [tilespmem:s24+$0x20];
	v55 =	vmin.f32 v36, $2.550000000e+02;
	v24 =	vmin.f32 v24, $2.550000000e+02;
	v20 =	vadd.f32 $1.258291200e+07, v20  }
0x49: {  	v39 =	vld [tilespmem:s24+$0x50];
	v13 =	vmin.f32 v13, $2.550000000e+02;
	v15 =	vadd.f32 $1.258291200e+07, v15;
	v22 =	vadd.f32 $1.258291200e+07, v22  }
0x4a: {  	v12 =	vld [tilespmem:s25+$0x20];
	v16 =	vmin.f32 v16, $2.550000000e+02;
	v28 =	vadd.f32 $1.258291200e+07, v28;
	v27 =	vadd.f32 $1.275000000e+02, v27  }
0x4b: {  	v4 =	vld [tilespmem:s25+$0x10];
	v17 =	vadd.f32 $1.258291200e+07, v17;
	v13 =	vadd.f32 $1.258291200e+07, v13;
	v20 =	vand.u32 $0xFF, v20  }
0x4c: {  	v16 =	vadd.f32 $1.258291200e+07, v16;
	v15 =	vand.u32 $0xFF, v15;
	v27 =	vmax.f32 v27, $0.0e+00;
	v19 =	vld.idx.msk [tilespmem:v19+s5+$0x0], $0xffff  }
0x4d: {  	v40 =	vand.u32 $0xFF, v22;
	v22 =	vadd.f32 $1.258291200e+07, v24;
	v24 =	vld [tilespmem:s24+$0x0];
	v26 =	vmin.f32 v27, $2.550000000e+02  }
0x4e: {  	v57 =	vld [tilespmem:s24+$0xFFFFFFD0];
	v43 =	vand.u32 $0xFF, v17;
	v60 =	vand.u32 $0xFF, v13;
	v26 =	vadd.f32 $1.258291200e+07, v26  }
0x4f: {  	v59 =	vld [tilespmem:s24+$0xFFFFFFE0];
	v63 =	vand.u32 $0xFF, v28;
	v28 =	vand.u32 $0xFF, v16;
	v31 =	vmul.f32 $1.821428490e+01, v12  }
0x50: {  	v27 =	vadd.f32 $1.275000000e+02, v29;
	v42 =	vld.idx.msk [tilespmem:v20+s5+$0x0], $0xffff;
	v20 =	vand.u32 $0xFF, v26;
	v26 =	vmul.f32 $1.821428490e+01, v4  }
0x51: {  	v46 =	vld [tilespmem:s24+$0x60];
	v29 =	vsub.f32 v54, v6;
	v22 =	vand.u32 $0xFF, v22;
	v19 =	vmul.f32 v8, v19  }
0x52: {  	v5 =	vld [tilespmem:s24+$0x10];
	v27 =	vmax.f32 v27, $0.0e+00;
	v47 =	vsub.f32 v24, v14;
	v17 =	vadd.f32 $1.275000000e+02, v26  }
0x53: {  	v6 =	vld [tilespmem:s24+$0x30];
	v41 =	vadd.f32 v19, v10;
	v10 =	vadd.f32 $1.258291200e+07, v55;
	v19 =	vmin.f32 v35, $2.550000000e+02  }
0x54: {  	v26 =	vld [tilespmem:s24+$0xFFFFFFB0];
	v14 =	vmax.f32 v17, $0.0e+00;
	v17 =	vsub.f32 v59, v21;
	v19 =	vadd.f32 $1.258291200e+07, v19  }
0x55: {  	v21 =	vld.idx.msk [tilespmem:v43+s5+$0x0], $0xffff;
	v45 =	vand.u32 $0xFF, v10;
	v10 =	vmin.f32 v27, $2.550000000e+02;
	v27 =	vmin.f32 v34, $2.550000000e+02  }
0x56: {  	v31 =	vadd.f32 $1.275000000e+02, v31;
	v44 =	vand.u32 $0xFF, v19;
	v19 =	vld [tilespmem:s24+$0xFFFFFFF0];
	v27 =	vadd.f32 $1.258291200e+07, v27  }
0x57: {  	v29 =	vmul.f32 v29, v29;
	v24 =	vsub.f32 v46, v11;
	v13 =	vld.idx.msk [tilespmem:v20+s5+$0x0], $0xffff;
	v20 =	vadd.f32 $1.258291200e+07, v10  }
0x58: {  	v61 =	vld.idx.msk [tilespmem:v15+s5+$0x0], $0xffff;
	v31 =	vmax.f32 v31, $0.0e+00;
	v14 =	vmin.f32 v14, $2.550000000e+02;
	v15 =	vand.u32 $0xFF, v27  }
0x59: {  	v31 =	vmin.f32 v31, $2.550000000e+02;
	v62 =	vld.idx.msk [tilespmem:v22+s5+$0x0], $0xffff;
	v14 =	vadd.f32 $1.258291200e+07, v14;
	v27 =	vand.u32 $0xFF, v20  }
0x5a: {  	v16 =	vmul.f32 v24, v24;
	v31 =	vadd.f32 $1.258291200e+07, v31;
	v8 =	vmul.f32 v32, v32;
	v20 =	vld.idx.msk [tilespmem:v45+s5+$0x0], $0xffff  }
0x5b: {  	v22 =	vand.u32 $0xFF, v14;
	v10 =	vsub.f32 v19, v18;
	v18 =	vsub.f32 v26, v23;
	v19 =	vld.idx.msk [tilespmem:v60+s5+$0x0], $0xffff  }
0x5c: {  	v14 =	vmul.f32 v37, v42;
	v29 =	vmul.f32 v29, v21;
	v26 =	vand.u32 $0xFF, v31;
	v24 =	vld.idx.msk [tilespmem:v44+s5+$0x0], $0xffff  }
0x5d: {  	v23 =	vmul.f32 v18, v18;
	v11 =	vld.idx.msk [tilespmem:v15+s5+$0x0], $0xffff;
	v18 =	vsub.f32 v57, v30;
	v15 =	vsub.f32 v39, v25  }
0x5e: {  	v21 =	vld.idx.msk [tilespmem:v27+s5+$0x0], $0xffff;
	v30 =	vmul.f32 v47, v47;
	v25 =	vsub.f32 v38, v12;
	v12 =	vmul.f32 v16, v62  }
0x5f: {  	v16 =	vsub.f32 v56, v7;
	v7 =	vadd.f32 v29, v41;
	v29 =	vmul.f32 v9, v9;
	v9 =	vld.idx.msk [tilespmem:v40+s5+$0x0], $0xffff  }
0x60: {  	s26 =	simm.s32 $0x280;
	s25 =	simm.s32 $0x8280;
	s24 =	simm.s32 $0x0;
	v27 =	vmul.f32 v18, v18;
	v18 =	vld.idx.msk [tilespmem:v63+s5+$0x0], $0xffff;
	v30 =	vmul.f32 v30, v61  }
.LBB2_3:
0x61: {  	s24 =	sadd.s32 $0x4, s24;
	v20 =	vmul.f32 v23, v20;
	v17 =	vmul.f32 v17, v17;
	v23 =	vld.idx.msk [tilespmem:v28+s5+$0x0], $0xffff;
	v3 =	vsub.f32 v6, v3  }
0x62: {  	v6 =	vmul.f32 v8, v13;
	p0 =	slt.u32 s24, $0xFC;
	v7 =	vadd.f32 v30, v7;
	v8 =	vld.idx.msk [tilespmem:v26+s5+$0x0], $0xffff;
	v13 =	vmul.f32 v29, v19  }
0x63: {  	v4 =	vsub.f32 v5, v4;
	v5 =	vmul.f32 v25, v25;
	v19 =	vmul.f32 v27, v24;
	v26 =	vld [tilespmem:s25+$0xFFFFFF90]  }
0x64: {  	v2 =	vadd.f32 v6, v2;
	v6 =	vmul.f32 v17, v21;
	v17 =	vld.idx.msk [tilespmem:v22+s5+$0x0], $0xffff;
	v13 =	vadd.f32 v13, v7  }
0x65: {  	v15 =	vmul.f32 v15, v15;
	v22 =	vmul.f32 v10, v10;
	v21 =	vld [tilespmem:s26+$0xFFFFFF80]  }
0x66: {  	v1 =	vadd.f32 v14, v1;
	v4 =	vmul.f32 v4, v4;
	v2 =	vadd.f32 v6, v2;
	v7 =	vld [tilespmem:s25+$0x40]  }
0x67: {  	v0 =	vadd.f32 v20, v0;
	v14 =	vmul.f32 v3, v3;
	v6 =	vmul.f32 v22, v18;
	v10 =	vld [tilespmem:s25+$0x0]  }
0x68: {  	v15 =	vmul.f32 v15, v11;
	v11 =	vmul.f32 v16, v16;
	v1 =	vadd.f32 v19, v1;
	v3 =	vld [tilespmem:s25+$0x30]  }
0x69: {  	v5 =	vmul.f32 v5, v8;
	v0 =	vadd.f32 v6, v0;
	v6 =	vmul.f32 v14, v23;
	v20 =	vld [tilespmem:s25+$0xFFFFFFC0]  }
0x6a: {  	v14 =	vmul.f32 $1.821428490e+01, v26;
	v16 =	vmul.f32 v4, v17;
	v8 =	vld [tilespmem:s25+$0xFFFFFF80]  }
0x6b: {  	v0 =	vadd.f32 v6, v0;
	v6 =	vmul.f32 v11, v9;
	v4 =	vld [tilespmem:s25+$0x10];
	v17 =	vmul.f32 $1.821428490e+01, v7  }
0x6c: {  	v2 =	vadd.f32 v5, v2;
	v1 =	vadd.f32 v16, v1;
	v18 =	vmul.f32 $1.821428490e+01, v10;
	v9 =	vld [tilespmem:s25+$0x70]  }
0x6d: {  	v0 =	vadd.f32 v6, v0;
	v5 =	vmul.f32 $1.821428490e+01, v3;
	v16 =	vadd.f32 $1.275000000e+02, v17;
	v11 =	vld [tilespmem:s25+$0x60]  }
0x6e: {  	v6 =	vadd.f32 $1.275000000e+02, v14;
	v1 =	vadd.f32 v15, v1;
	v17 =	vmul.f32 $1.821428490e+01, v20;
	v14 =	vld [tilespmem:s25+$0xFFFFFFF0]  }
0x6f: {  	v2 =	vadd.f32 v12, v2;
	v15 =	vmul.f32 $1.821428490e+01, v8;
	v8 =	vsub.f32 v21, v8;
	v21 =	vld [tilespmem:s25+$0xFFFFFFA0]  }
0x70: {  	v6 =	vmax.f32 v6, $0.0e+00;
	v18 =	vadd.f32 $1.275000000e+02, v18;
	v22 =	vld [tilespmem:s26+$0xFFFFFF90];
	v12 =	vadd.f32 $1.275000000e+02, v17  }
0x71: {  	v6 =	vmin.f32 v6, $2.550000000e+02;
	v19 =	vadd.f32 $1.275000000e+02, v5;
	v15 =	vadd.f32 $1.275000000e+02, v15;
	v17 =	vld [tilespmem:s25+$0xFFFFFFE0]  }
0x72: {  	v23 =	vmax.f32 v18, $0.0e+00;
	v24 =	vmul.f32 $1.821428490e+01, v9;
	v5 =	vmax.f32 v12, $0.0e+00;
	v12 =	vld [tilespmem:s25+$0x20]  }
0x73: {  	v6 =	vadd.f32 $1.258291200e+07, v6;
	v15 =	vmax.f32 v15, $0.0e+00;
	v18 =	vld [tilespmem:s25+$0xFFFFFFB0];
	v25 =	vmin.f32 v5, $2.550000000e+02  }
0x74: {  	v27 =	vmax.f32 v16, $0.0e+00;
	v28 =	vmul.f32 $1.821428490e+01, v11;
	v5 =	vmin.f32 v15, $2.550000000e+02;
	v15 =	vld [tilespmem:s25+$0x50]  }
0x75: {  	v30 =	vmul.f32 $1.821428490e+01, v14;
	v29 =	vmul.f32 $1.821428490e+01, v21;
	v5 =	vadd.f32 $1.258291200e+07, v5  }
0x76: {  	v23 =	vmin.f32 v23, $2.550000000e+02;
	v31 =	vand.u32 $0xFF, v6;
	v6 =	vmul.f32 $1.821428490e+01, v17  }
0x77: {  	v30 =	vadd.f32 $1.275000000e+02, v30;
	v5 =	vand.u32 $0xFF, v5;
	v16 =	vld [tilespmem:s25+$0xFFFFFFD0];
	v32 =	vmul.f32 $1.821428490e+01, v12  }
0x78: {  	v23 =	vadd.f32 $1.258291200e+07, v23;
	v24 =	vadd.f32 $1.275000000e+02, v24;
	v33 =	vld [tilespmem:s26+$0xFFFFFFA0];
	v34 =	vmul.f32 $1.821428490e+01, v18  }
0x79: {  	v29 =	vadd.f32 $1.275000000e+02, v29;
	v32 =	vadd.f32 $1.275000000e+02, v32;
	v35 =	vmul.f32 $1.821428490e+01, v15  }
0x7a: {  	v23 =	vand.u32 $0xFF, v23;
	v22 =	vsub.f32 v22, v26;
	v26 =	vadd.f32 $1.275000000e+02, v34;
	v34 =	vld [tilespmem:s26+$0xFFFFFFC0]  }
0x7b: {  	v24 =	vmax.f32 v24, $0.0e+00;
	v30 =	vmax.f32 v30, $0.0e+00;
	v32 =	vmax.f32 v32, $0.0e+00  }
0x7c: {  	v30 =	vmin.f32 v30, $2.550000000e+02;
	v36 =	vld.idx.msk [tilespmem:v5+s5+$0x0], $0xffff;
	v37 =	vmul.f32 $1.821428490e+01, v16;
	v32 =	vmin.f32 v32, $2.550000000e+02  }
0x7d: {  	v5 =	vmax.f32 v29, $0.0e+00;
	v26 =	vmax.f32 v26, $0.0e+00;
	v21 =	vsub.f32 v33, v21  }
0x7e: {  	v6 =	vadd.f32 $1.275000000e+02, v6;
	v29 =	vmul.f32 v22, v22;
	v22 =	vmin.f32 v5, $2.550000000e+02  }
0x7f: {  	v28 =	vadd.f32 $1.275000000e+02, v28;
	v24 =	vmin.f32 v24, $2.550000000e+02;
	v20 =	vsub.f32 v34, v20;
	v5 =	vld [tilespmem:s26+$0x10]  }
0x80: {  	v8 =	vmul.f32 v8, v8;
	v33 =	vmax.f32 v6, $0.0e+00;
	v22 =	vadd.f32 $1.258291200e+07, v22;
	v6 =	vld [tilespmem:s26+$0x30]  }
0x81: {  	v26 =	vmin.f32 v26, $2.550000000e+02;
	v34 =	vmul.f32 v20, v20;
	v20 =	vadd.f32 $1.275000000e+02, v37;
	v37 =	vld [tilespmem:s26+$0x70]  }
0x82: {  	v24 =	vadd.f32 $1.258291200e+07, v24;
	v35 =	vadd.f32 $1.275000000e+02, v35;
	v36 =	vmul.f32 v8, v36;
	v38 =	vld [tilespmem:s26+$0x20]  }
0x83: {  	v28 =	vmax.f32 v28, $0.0e+00;
	v30 =	vadd.f32 $1.258291200e+07, v30;
	v20 =	vmax.f32 v20, $0.0e+00;
	v39 =	vld [tilespmem:s26+$0x50]  }
0x84: {  	v28 =	vmin.f32 v28, $2.550000000e+02;
	v40 =	vand.u32 $0xFF, v24;
	v8 =	vmul.f32 v21, v21;
	v21 =	vld [tilespmem:s26+$0xFFFFFFD0]  }
0x85: {  	v36 =	vadd.f32 v36, v13;
	v13 =	vadd.f32 $1.258291200e+07, v26;
	v20 =	vmin.f32 v20, $2.550000000e+02;
	v24 =	vld.idx.msk [tilespmem:v31+s5+$0x0], $0xffff  }
0x86: {  	v25 =	vadd.f32 $1.258291200e+07, v25;
	v22 =	vand.u32 $0xFF, v22;
	v26 =	vadd.f32 $1.258291200e+07, v28;
	v31 =	vld [tilespmem:s26+$0x40]  }
0x87: {  	v41 =	vmul.f32 $1.821428490e+01, v4;
	v27 =	vmin.f32 v27, $2.550000000e+02;
	v20 =	vadd.f32 $1.258291200e+07, v20;
	v28 =	vld [tilespmem:s26+$0x0]  }
0x88: {  	v27 =	vadd.f32 $1.258291200e+07, v27;
	v35 =	vmax.f32 v35, $0.0e+00;
	v26 =	vand.u32 $0xFF, v26;
	v42 =	vld [tilespmem:s26+$0xFFFFFFE0]  }
0x89: {  	v41 =	vadd.f32 $1.275000000e+02, v41;
	v25 =	vand.u32 $0xFF, v25;
	v43 =	vand.u32 $0xFF, v20;
	v20 =	vld [tilespmem:s26+$0xFFFFFFF0]  }
0x8a: {  	v33 =	vmin.f32 v33, $2.550000000e+02;
	v45 =	vand.u32 $0xFF, v13;
	v13 =	vmin.f32 v35, $2.550000000e+02;
	v44 =	vld [tilespmem:s26+$0xFFFFFFB0]  }
0x8b: {  	v27 =	vand.u32 $0xFF, v27;
	v32 =	vadd.f32 $1.258291200e+07, v32;
	v35 =	vadd.f32 $1.258291200e+07, v13;
	v46 =	vld [tilespmem:s26+$0x60]  }
0x8c: {  	v19 =	vmax.f32 v19, $0.0e+00;
	v13 =	vld.idx.msk [tilespmem:v22+s5+$0x0], $0xffff;
	v47 =	vsub.f32 v28, v10;
	v22 =	vmax.f32 v41, $0.0e+00  }
0x8d: {  	v35 =	vand.u32 $0xFF, v35;
	v28 =	vadd.f32 $1.258291200e+07, v33;
	v17 =	vsub.f32 v42, v17;
	v33 =	vld.idx.msk [tilespmem:v23+s5+$0x0], $0xffff  }
0x8e: {  	v19 =	vmin.f32 v19, $2.550000000e+02;
	v25 =	vld.idx.msk [tilespmem:v25+s5+$0x0], $0xffff;
	v10 =	vsub.f32 v20, v14;
	v14 =	vmin.f32 v22, $2.550000000e+02  }
0x8f: {  	v41 =	vand.u32 $0xFF, v28;
	v18 =	vsub.f32 v44, v18;
	v14 =	vadd.f32 $1.258291200e+07, v14;
	v42 =	vld.idx.msk [tilespmem:v26+s5+$0x0], $0xffff  }
0x90: {  	v30 =	vand.u32 $0xFF, v30;
	v28 =	vadd.f32 $1.258291200e+07, v19;
	v20 =	vld.idx.msk [tilespmem:v45+s5+$0x0], $0xffff;
	v44 =	vsub.f32 v46, v11  }
0x91: {  	v26 =	vand.u32 $0xFF, v32;
	v23 =	vmul.f32 v18, v18;
	v22 =	vand.u32 $0xFF, v14;
	v19 =	vld.idx.msk [tilespmem:v27+s5+$0x0], $0xffff  }
.Ltmp2:
0x92: {  	v31 =	vsub.f32 v31, v7;
	v28 =	vand.u32 $0xFF, v28;
	v11 =	vld.idx.msk [tilespmem:v35+s5+$0x0], $0xffff;
	v7 =	vmul.f32 v44, v44;
	(pc) =	sbr.rel @p0 .LBB2_3-.Ltmp2, $4  }
0x93: {  	v15 =	vsub.f32 v39, v15;
	v16 =	vsub.f32 v21, v16;
	v14 =	vmul.f32 v29, v24;
	v24 =	vld.idx.msk [tilespmem:v43+s5+$0x0], $0xffff  }
0x94: {  	v32 =	vmul.f32 v47, v47;
	v29 =	vmul.f32 v34, v25;
	v25 =	vsub.f32 v38, v12;
	v21 =	vld.idx.msk [tilespmem:v41+s5+$0x0], $0xffff  }
0x95: {  	v27 =	vmul.f32 v16, v16;
	v16 =	vsub.f32 v37, v9;
	v12 =	vmul.f32 v7, v42;
	v18 =	vld.idx.msk [tilespmem:v30+s5+$0x0], $0xffff  }
0x96: {  	s25 =	sadd.s32 $0x100, s25;
	s26 =	sadd.s32 $0x100, s26;
	v7 =	vadd.f32 v29, v36;
	v30 =	vmul.f32 v32, v33;
	v29 =	vmul.f32 v31, v31;
	v9 =	vld.idx.msk [tilespmem:v40+s5+$0x0], $0xffff  }
0x97: {  	_ = 	snop  }
0x98: {  	p0 =	seq.s32 s23, $0xF  }
0x99: {  	s24 =	sshll.u32 @!p0 s23, $0xF  }
0x9a: {  	s24 =	sadd.s32 @!p0 s24, s10  }
0x9b: {  	v28 =	vld.idx.msk [tilespmem:v28+s5+$0x0], $0xffff;
	s24 =	sshrl.u32 @!p0 s24, $0x3  }
0x9c: {  	v26 =	vld.idx.msk [tilespmem:v26+s5+$0x0], $0xffff;
	s26 =	simm.s32 @!p0 $0x0;
	s28 =	simm.s32 @!p0 $0x100;
	s25 =	sadd.s32 @!p0 s1, s24  }
0x9d: {  	v22 =	vld.idx.msk [tilespmem:v22+s5+$0x0], $0xffff;
	[tilespmem:s28], [sflag:$0x1] =	stream.linear.gather @!p0 [hbm4b:s25+s26], $0x4000, $0x38  }
0x9e: {  	s24 =	sadd.s32 @!p0 s2, s24;
	s25 =	simm.s32 @!p0 $0x8100  }
0x9f: {  	[tilespmem:s25], [sflag:$0x1] =	stream.linear.gather @!p0 [hbm4b:s24+s26], $0x4000, $0x38;
	[tilespmem:$0x10180] =	vst v63  }
0xa0: {  	_ =	swait.ge [sflag:s20], $0x4000  }
0xa1: {  	[sflag:s20] =	ssyncset.done $0x0  }
0xa2: {  	[sflag:s20] =	ssyncadd.s32 $0xFFFFC000  }
0xa3: {  	_ =	swait.ge [sflag:s20], $0x4000  }
0xa4: {  	v3 =	vsub.f32 v6, v3;
	v6 =	vmul.f32 v8, v13;
	[sflag:s20] =	ssyncset.done $0x0  }
0xa5: {  	v20 =	vmul.f32 v23, v20;
	s30 =	simm.s32 $0xC180;
	[sflag:s20] =	ssyncadd.s32 $0xFFFFC000  }
0xa6: {  	s31 =	simm.s32 $0x4180;
	v1 =	vadd.f32 v14, v1;
	v2 =	vadd.f32 v6, v2;
	v6 =	vmul.f32 v10, v10;
	v23 =	vld [tilespmem:s30+$0xFFFFFF90]  }
0xa7: {  	v8 =	vadd.f32 v30, v7;
	v13 =	vmul.f32 v29, v19;
	v19 =	vmul.f32 v27, v24;
	v14 =	vld [tilespmem:s31+$0xFFFFFF80]  }
0xa8: {  	v0 =	vadd.f32 v20, v0;
	v3 =	vmul.f32 v3, v3;
	v6 =	vmul.f32 v6, v18;
	v7 =	vld [tilespmem:s30+$0x40]  }
0xa9: {  	v4 =	vsub.f32 v5, v4;
	v15 =	vmul.f32 v15, v15;
	v16 =	vmul.f32 v16, v16;
	v10 =	vld [tilespmem:s30+$0x0]  }
0xaa: {  	v18 =	vadd.f32 v19, v1;
	v3 =	vmul.f32 v3, v28;
	v0 =	vadd.f32 v6, v0;
	v1 =	vld [tilespmem:s30+$0x30]  }
0xab: {  	v17 =	vmul.f32 v17, v17;
	v6 =	vmul.f32 v15, v11;
	v15 =	vld [tilespmem:s30+$0xFFFFFFC0]  }
0xac: {  	v4 =	vmul.f32 v4, v4;
	v0 =	vadd.f32 v3, v0;
	v3 =	vmul.f32 v16, v9;
	v9 =	vld [tilespmem:s30+$0xFFFFFF80]  }
0xad: {  	v5 =	vmul.f32 v25, v25;
	v17 =	vmul.f32 v17, v21;
	v13 =	vadd.f32 v13, v8;
	v8 =	vld [tilespmem:s30+$0x70]  }
0xae: {  	v4 =	vmul.f32 v4, v22;
	v11 =	vld [tilespmem:s30+$0x60]  }
0xaf: {  	v2 =	vadd.f32 v17, v2;
	v5 =	vmul.f32 v5, v26;
	v22 =	vld [tilespmem:s30+$0xFFFFFFB0]  }
0xb0: {  	v4 =	vadd.f32 v4, v18;
	v55 =	vld [tilespmem:s31+$0xFFFFFFC0]  }
0xb1: {  	v5 =	vadd.f32 v5, v2;
	v44 =	vld [tilespmem:s31+$0xFFFFFFB0]  }
0xb2: {  	v2 =	vadd.f32 v6, v4;
	v0 =	vadd.f32 v3, v0;
	v47 =	vld [tilespmem:s31+$0x60]  }
0xb3: {  	v3 =	vadd.f32 v12, v5;
	v4 =	vmul.f32 $1.821428490e+01, v23;
	v5 =	vmul.f32 $1.821428490e+01, v7  }
0xb4: {  	v19 =	vld [tilespmem:s30+$0xFFFFFFE0];
	v6 =	vmul.f32 $1.821428490e+01, v10;
	v12 =	vmul.f32 $1.821428490e+01, v1  }
0xb5: {  	v18 =	vld [tilespmem:s30+$0xFFFFFFF0];
	v16 =	vmul.f32 $1.821428490e+01, v15;
	v17 =	vmul.f32 $1.821428490e+01, v9  }
0xb6: {  	v26 =	vld [tilespmem:s30+$0x50];
	v9 =	vsub.f32 v14, v9;
	v21 =	vmul.f32 $1.821428490e+01, v8;
	v15 =	vsub.f32 v55, v15  }
0xb7: {  	v33 =	vmul.f32 $1.821428490e+01, v22;
	v22 =	vsub.f32 v44, v22;
	v62 =	vsub.f32 v47, v11  }
0xb8: {  	v25 =	vmul.f32 $1.821428490e+01, v11;
	v4 =	vadd.f32 $1.275000000e+02, v4;
	v5 =	vadd.f32 $1.275000000e+02, v5  }
0xb9: {  	v30 =	vmul.f32 $1.821428490e+01, v19;
	v16 =	vadd.f32 $1.275000000e+02, v16;
	v6 =	vadd.f32 $1.275000000e+02, v6  }
0xba: {  	v28 =	vmul.f32 $1.821428490e+01, v18;
	v17 =	vadd.f32 $1.275000000e+02, v17;
	v20 =	vadd.f32 $1.275000000e+02, v12  }
0xbb: {  	v34 =	vmul.f32 $1.821428490e+01, v26;
	v21 =	vadd.f32 $1.275000000e+02, v21;
	v30 =	vadd.f32 $1.275000000e+02, v30  }
0xbc: {  	v14 =	vld [tilespmem:s30+$0xFFFFFFA0];
	v25 =	vadd.f32 $1.275000000e+02, v25;
	v9 =	vmul.f32 v9, v9;
	v15 =	vmul.f32 v15, v15  }
0xbd: {  	v34 =	vadd.f32 $1.275000000e+02, v34;
	v4 =	vmax.f32 v4, $0.0e+00;
	v16 =	vmax.f32 v16, $0.0e+00  }
0xbe: {  	v32 =	vld [tilespmem:s31+$0xFFFFFFA0];
	v6 =	vmax.f32 v6, $0.0e+00;
	v17 =	vmax.f32 v17, $0.0e+00;
	v24 =	vmax.f32 v5, $0.0e+00  }
0xbf: {  	v21 =	vmax.f32 v21, $0.0e+00;
	v30 =	vmax.f32 v30, $0.0e+00;
	v25 =	vmax.f32 v25, $0.0e+00  }
0xc0: {  	v12 =	vld [tilespmem:s30+$0x20];
	v34 =	vmax.f32 v34, $0.0e+00;
	v20 =	vmax.f32 v20, $0.0e+00;
	v4 =	vmin.f32 v4, $2.550000000e+02  }
0xc1: {  	v16 =	vmin.f32 v16, $2.550000000e+02;
	v17 =	vmin.f32 v17, $2.550000000e+02;
	v27 =	vmul.f32 $1.821428490e+01, v14  }
0xc2: {  	v21 =	vmin.f32 v21, $2.550000000e+02;
	v4 =	vadd.f32 $1.258291200e+07, v4;
	v17 =	vadd.f32 $1.258291200e+07, v17  }
0xc3: {  	v5 =	vld [tilespmem:s31+$0xFFFFFF90];
	v14 =	vsub.f32 v32, v14;
	v24 =	vmin.f32 v24, $2.550000000e+02;
	v21 =	vadd.f32 $1.258291200e+07, v21  }
0xc4: {  	v31 =	vld [tilespmem:s30+$0xFFFFFFD0];
	v29 =	vand.u32 $0xFF, v4;
	v4 =	vmin.f32 v6, $2.550000000e+02;
	v6 =	vand.u32 $0xFF, v17  }
0xc5: {  	v16 =	vadd.f32 $1.258291200e+07, v16;
	v17 =	vadd.f32 $1.275000000e+02, v28;
	v28 =	vmul.f32 $1.821428490e+01, v12  }
0xc6: {  	v57 =	vld [tilespmem:s31+$0x70];
	v30 =	vmin.f32 v30, $2.550000000e+02;
	v24 =	vadd.f32 $1.258291200e+07, v24;
	v4 =	vadd.f32 $1.258291200e+07, v4  }
0xc7: {  	v38 =	vld [tilespmem:s31+$0x20];
	v27 =	vadd.f32 $1.275000000e+02, v27;
	v41 =	vand.u32 $0xFF, v21;
	v28 =	vadd.f32 $1.275000000e+02, v28  }
0xc8: {  	v39 =	vld [tilespmem:s31+$0x50];
	v5 =	vsub.f32 v5, v23;
	v23 =	vadd.f32 $1.275000000e+02, v33;
	v35 =	vand.u32 $0xFF, v4  }
0xc9: {  	v4 =	vmax.f32 v17, $0.0e+00;
	v17 =	vmax.f32 v28, $0.0e+00;
	v28 =	vmul.f32 $1.821428490e+01, v31;
	v37 =	vld.idx.msk [tilespmem:v6+s5+$0x0], $0xffff  }
0xca: {  	v40 =	vld [tilespmem:s31+$0xFFFFFFD0];
	v16 =	vand.u32 $0xFF, v16;
	v24 =	vand.u32 $0xFF, v24;
	v23 =	vmax.f32 v23, $0.0e+00  }
0xcb: {  	v42 =	vld [tilespmem:s31+$0xFFFFFFE0];
	v36 =	vmin.f32 v4, $2.550000000e+02;
	v6 =	vmax.f32 v27, $0.0e+00;
	v28 =	vadd.f32 $1.275000000e+02, v28  }
0xcc: {  	v4 =	vld [tilespmem:s30+$0x10];
	v23 =	vmin.f32 v23, $2.550000000e+02;
	v17 =	vmin.f32 v17, $2.550000000e+02;
	v6 =	vmin.f32 v6, $2.550000000e+02  }
0xcd: {  	v27 =	vmul.f32 v5, v5;
	v5 =	vld [tilespmem:s31+$0x10];
	v56 =	vadd.f32 $1.258291200e+07, v6;
	v28 =	vmax.f32 v28, $0.0e+00  }
0xce: {  	v29 =	vld.idx.msk [tilespmem:v29+s5+$0x0], $0xffff;
	v37 =	vmul.f32 v9, v37;
	v9 =	vmul.f32 v14, v14;
	v14 =	vmin.f32 v25, $2.550000000e+02  }
0xcf: {  	v36 =	vadd.f32 $1.258291200e+07, v36;
	v21 =	vmin.f32 v28, $2.550000000e+02;
	v25 =	vld [tilespmem:s31+$0x0];
	v14 =	vadd.f32 $1.258291200e+07, v14  }
0xd0: {  	v16 =	vld.idx.msk [tilespmem:v16+s5+$0x0], $0xffff;
	v37 =	vadd.f32 v37, v13;
	v13 =	vadd.f32 $1.258291200e+07, v23;
	v23 =	vand.u32 $0xFF, v56  }
0xd1: {  	v59 =	vadd.f32 $1.258291200e+07, v17;
	v28 =	vld [tilespmem:s31+$0x40];
	v21 =	vadd.f32 $1.258291200e+07, v21;
	v14 =	vand.u32 $0xFF, v14  }
0xd2: {  	v17 =	vsub.f32 v42, v19;
	v6 =	vld [tilespmem:s31+$0x30];
	v45 =	vand.u32 $0xFF, v13;
	v13 =	vmin.f32 v34, $2.550000000e+02  }
0xd3: {  	v58 =	vmul.f32 $1.821428490e+01, v4;
	v43 =	vand.u32 $0xFF, v21;
	v21 =	vld [tilespmem:s31+$0xFFFFFFF0];
	v46 =	vadd.f32 $1.258291200e+07, v13  }
0xd4: {  	v20 =	vmin.f32 v20, $2.550000000e+02;
	v48 =	vsub.f32 v25, v10;
	v25 =	vadd.f32 $1.258291200e+07, v30;
	v30 =	vld.idx.msk [tilespmem:v35+s5+$0x0], $0xffff  }
0xd5: {  	v42 =	vmul.f32 v62, v62;
	v32 =	vadd.f32 $1.275000000e+02, v58;
	v13 =	vld.idx.msk [tilespmem:v23+s5+$0x0], $0xffff;
	v19 =	vand.u32 $0xFF, v46  }
0xd6: {  	v36 =	vand.u32 $0xFF, v36;
	v63 =	vsub.f32 v28, v7;
	v60 =	vand.u32 $0xFF, v25;
	v61 =	vld.idx.msk [tilespmem:v14+s5+$0x0], $0xffff  }
0xd7: {  	v7 =	vsub.f32 v39, v26;
	v23 =	vmax.f32 v32, $0.0e+00;
	v25 =	vadd.f32 $1.258291200e+07, v20;
	v14 =	vld.idx.msk [tilespmem:v24+s5+$0x0], $0xffff  }
0xd8: {  	v26 =	vsub.f32 v38, v12;
	v10 =	vsub.f32 v21, v18;
	v18 =	vmin.f32 v23, $2.550000000e+02;
	v24 =	vld.idx.msk [tilespmem:v43+s5+$0x0], $0xffff  }
0xd9: {  	v20 =	vand.u32 $0xFF, v59;
	v18 =	vadd.f32 $1.258291200e+07, v18;
	v21 =	vld.idx.msk [tilespmem:v45+s5+$0x0], $0xffff;
	v25 =	vand.u32 $0xFF, v25  }
0xda: {  	v23 =	vmul.f32 v22, v22;
	v11 =	vld.idx.msk [tilespmem:v19+s5+$0x0], $0xffff;
	v19 =	vmul.f32 v27, v29;
	v27 =	vsub.f32 v40, v31  }
0xdb: {  	v18 =	vand.u32 $0xFF, v18;
	v29 =	vmul.f32 v15, v16;
	v22 =	vld.idx.msk [tilespmem:v60+s5+$0x0], $0xffff;
	v31 =	vmul.f32 v48, v48  }
0xdc: {  	v16 =	vld.idx.msk [tilespmem:v36+s5+$0x0], $0xffff;
	v15 =	vsub.f32 v57, v8;
	v12 =	vmul.f32 v42, v61;
	v28 =	vmul.f32 v27, v27  }
0xdd: {  	s24 =	simm.s32 $0x0;
	s25 =	simm.s32 $0xC280;
	s26 =	simm.s32 $0x4280;
	v8 =	vld.idx.msk [tilespmem:v41+s5+$0x0], $0xffff;
	v29 =	vadd.f32 v29, v37;
	v30 =	vmul.f32 v31, v30;
	v27 =	vmul.f32 v63, v63  }
.LBB2_5:
0xde: {  	s24 =	sadd.s32 $0x4, s24;
	v21 =	vmul.f32 v23, v21;
	v17 =	vmul.f32 v17, v17;
	v23 =	vld.idx.msk [tilespmem:v25+s5+$0x0], $0xffff;
	v1 =	vsub.f32 v6, v1  }
0xdf: {  	v6 =	vmul.f32 v9, v13;
	p1 =	slt.u32 s24, $0xFC;
	v9 =	vadd.f32 v30, v29;
	v20 =	vld.idx.msk [tilespmem:v20+s5+$0x0], $0xffff;
	v13 =	vmul.f32 v27, v14  }
0xe0: {  	v4 =	vsub.f32 v5, v4;
	v5 =	vmul.f32 v26, v26;
	v14 =	vmul.f32 v28, v24;
	v25 =	vld [tilespmem:s25+$0xFFFFFF90]  }
0xe1: {  	v3 =	vadd.f32 v6, v3;
	v6 =	vmul.f32 v17, v22;
	v17 =	vld.idx.msk [tilespmem:v18+s5+$0x0], $0xffff;
	v13 =	vadd.f32 v13, v9  }
0xe2: {  	v22 =	vmul.f32 v7, v7;
	v18 =	vmul.f32 v10, v10;
	v9 =	vld [tilespmem:s26+$0xFFFFFF80]  }
0xe3: {  	v2 =	vadd.f32 v19, v2;
	v4 =	vmul.f32 v4, v4;
	v3 =	vadd.f32 v6, v3;
	v7 =	vld [tilespmem:s25+$0x40]  }
0xe4: {  	v0 =	vadd.f32 v21, v0;
	v6 =	vmul.f32 v18, v16;
	v16 =	vmul.f32 v1, v1;
	v10 =	vld [tilespmem:s25+$0x0]  }
0xe5: {  	v2 =	vadd.f32 v14, v2;
	v18 =	vmul.f32 v22, v11;
	v11 =	vmul.f32 v15, v15;
	v1 =	vld [tilespmem:s25+$0x30]  }
0xe6: {  	v5 =	vmul.f32 v5, v20;
	v0 =	vadd.f32 v6, v0;
	v6 =	vmul.f32 v16, v23;
	v21 =	vld [tilespmem:s25+$0xFFFFFFC0]  }
0xe7: {  	v14 =	vmul.f32 $1.821428490e+01, v25;
	v16 =	vmul.f32 v4, v17;
	v15 =	vld [tilespmem:s25+$0xFFFFFF80]  }
0xe8: {  	v0 =	vadd.f32 v6, v0;
	v6 =	vmul.f32 v11, v8;
	v4 =	vld [tilespmem:s25+$0x10];
	v17 =	vmul.f32 $1.821428490e+01, v7  }
0xe9: {  	v3 =	vadd.f32 v5, v3;
	v2 =	vadd.f32 v16, v2;
	v19 =	vmul.f32 $1.821428490e+01, v10;
	v8 =	vld [tilespmem:s25+$0x70]  }
0xea: {  	v0 =	vadd.f32 v6, v0;
	v5 =	vmul.f32 $1.821428490e+01, v1;
	v16 =	vadd.f32 $1.275000000e+02, v17;
	v11 =	vld [tilespmem:s25+$0x60]  }
0xeb: {  	v6 =	vadd.f32 $1.275000000e+02, v14;
	v2 =	vadd.f32 v18, v2;
	v17 =	vmul.f32 $1.821428490e+01, v21;
	v14 =	vld [tilespmem:s25+$0xFFFFFFF0]  }
0xec: {  	v3 =	vadd.f32 v12, v3;
	v18 =	vmul.f32 $1.821428490e+01, v15;
	v9 =	vsub.f32 v9, v15;
	v20 =	vld [tilespmem:s25+$0xFFFFFFA0]  }
0xed: {  	v6 =	vmax.f32 v6, $0.0e+00;
	v15 =	vadd.f32 $1.275000000e+02, v19;
	v22 =	vld [tilespmem:s26+$0xFFFFFF90];
	v12 =	vadd.f32 $1.275000000e+02, v17  }
0xee: {  	v6 =	vmin.f32 v6, $2.550000000e+02;
	v19 =	vadd.f32 $1.275000000e+02, v5;
	v18 =	vadd.f32 $1.275000000e+02, v18;
	v17 =	vld [tilespmem:s25+$0xFFFFFFE0]  }
0xef: {  	v23 =	vmax.f32 v15, $0.0e+00;
	v24 =	vmul.f32 $1.821428490e+01, v8;
	v5 =	vmax.f32 v12, $0.0e+00;
	v12 =	vld [tilespmem:s25+$0x20]  }
0xf0: {  	v6 =	vadd.f32 $1.258291200e+07, v6;
	v15 =	vmax.f32 v18, $0.0e+00;
	v18 =	vld [tilespmem:s25+$0xFFFFFFB0];
	v26 =	vmin.f32 v5, $2.550000000e+02  }
0xf1: {  	v27 =	vmax.f32 v16, $0.0e+00;
	v28 =	vmul.f32 $1.821428490e+01, v11;
	v5 =	vmin.f32 v15, $2.550000000e+02;
	v15 =	vld [tilespmem:s25+$0x50]  }
0xf2: {  	v30 =	vmul.f32 $1.821428490e+01, v14;
	v29 =	vmul.f32 $1.821428490e+01, v20;
	v5 =	vadd.f32 $1.258291200e+07, v5  }
0xf3: {  	v31 =	vand.u32 $0xFF, v6;
	v23 =	vmin.f32 v23, $2.550000000e+02;
	v6 =	vmul.f32 $1.821428490e+01, v17  }
0xf4: {  	v30 =	vadd.f32 $1.275000000e+02, v30;
	v5 =	vand.u32 $0xFF, v5;
	v16 =	vld [tilespmem:s25+$0xFFFFFFD0];
	v32 =	vmul.f32 $1.821428490e+01, v12  }
0xf5: {  	v23 =	vadd.f32 $1.258291200e+07, v23;
	v24 =	vadd.f32 $1.275000000e+02, v24;
	v33 =	vld [tilespmem:s26+$0xFFFFFFA0];
	v34 =	vmul.f32 $1.821428490e+01, v18  }
0xf6: {  	v29 =	vadd.f32 $1.275000000e+02, v29;
	v32 =	vadd.f32 $1.275000000e+02, v32;
	v35 =	vmul.f32 $1.821428490e+01, v15  }
0xf7: {  	v22 =	vsub.f32 v22, v25;
	v23 =	vand.u32 $0xFF, v23;
	v25 =	vadd.f32 $1.275000000e+02, v34;
	v34 =	vld [tilespmem:s26+$0xFFFFFFC0]  }
0xf8: {  	v24 =	vmax.f32 v24, $0.0e+00;
	v30 =	vmax.f32 v30, $0.0e+00;
	v32 =	vmax.f32 v32, $0.0e+00  }
0xf9: {  	v30 =	vmin.f32 v30, $2.550000000e+02;
	v36 =	vld.idx.msk [tilespmem:v5+s5+$0x0], $0xffff;
	v37 =	vmul.f32 $1.821428490e+01, v16;
	v32 =	vmin.f32 v32, $2.550000000e+02  }
0xfa: {  	v5 =	vmax.f32 v29, $0.0e+00;
	v25 =	vmax.f32 v25, $0.0e+00;
	v20 =	vsub.f32 v33, v20  }
0xfb: {  	v22 =	vmul.f32 v22, v22;
	v6 =	vadd.f32 $1.275000000e+02, v6;
	v29 =	vmin.f32 v5, $2.550000000e+02  }
0xfc: {  	v28 =	vadd.f32 $1.275000000e+02, v28;
	v24 =	vmin.f32 v24, $2.550000000e+02;
	v21 =	vsub.f32 v34, v21;
	v5 =	vld [tilespmem:s26+$0x10]  }
0xfd: {  	v9 =	vmul.f32 v9, v9;
	v33 =	vmax.f32 v6, $0.0e+00;
	v29 =	vadd.f32 $1.258291200e+07, v29;
	v6 =	vld [tilespmem:s26+$0x30]  }
0xfe: {  	v25 =	vmin.f32 v25, $2.550000000e+02;
	v34 =	vmul.f32 v21, v21;
	v21 =	vadd.f32 $1.275000000e+02, v37;
	v37 =	vld [tilespmem:s26+$0x70]  }
0xff: {  	v24 =	vadd.f32 $1.258291200e+07, v24;
	v35 =	vadd.f32 $1.275000000e+02, v35;
	v36 =	vmul.f32 v9, v36;
	v38 =	vld [tilespmem:s26+$0x20]  }
0x100: {  	v28 =	vmax.f32 v28, $0.0e+00;
	v30 =	vadd.f32 $1.258291200e+07, v30;
	v21 =	vmax.f32 v21, $0.0e+00;
	v39 =	vld [tilespmem:s26+$0x50]  }
0x101: {  	v41 =	vand.u32 $0xFF, v24;
	v9 =	vmul.f32 v20, v20;
	v20 =	vmin.f32 v28, $2.550000000e+02;
	v40 =	vld [tilespmem:s26+$0xFFFFFFD0]  }
0x102: {  	v36 =	vadd.f32 v36, v13;
	v13 =	vadd.f32 $1.258291200e+07, v25;
	v21 =	vmin.f32 v21, $2.550000000e+02;
	v24 =	vld.idx.msk [tilespmem:v31+s5+$0x0], $0xffff  }
0x103: {  	v26 =	vadd.f32 $1.258291200e+07, v26;
	v20 =	vadd.f32 $1.258291200e+07, v20;
	v25 =	vand.u32 $0xFF, v29;
	v28 =	vld [tilespmem:s26+$0x40]  }
0x104: {  	v27 =	vmin.f32 v27, $2.550000000e+02;
	v21 =	vadd.f32 $1.258291200e+07, v21;
	v31 =	vmul.f32 $1.821428490e+01, v4;
	v29 =	vld [tilespmem:s26+$0x0]  }
0x105: {  	v27 =	vadd.f32 $1.258291200e+07, v27;
	v35 =	vmax.f32 v35, $0.0e+00;
	v20 =	vand.u32 $0xFF, v20;
	v42 =	vld [tilespmem:s26+$0xFFFFFFE0]  }
0x106: {  	v26 =	vand.u32 $0xFF, v26;
	v43 =	vand.u32 $0xFF, v21;
	v31 =	vadd.f32 $1.275000000e+02, v31;
	v21 =	vld [tilespmem:s26+$0xFFFFFFF0]  }
0x107: {  	v33 =	vmin.f32 v33, $2.550000000e+02;
	v45 =	vand.u32 $0xFF, v13;
	v13 =	vmin.f32 v35, $2.550000000e+02;
	v44 =	vld [tilespmem:s26+$0xFFFFFFB0]  }
0x108: {  	v27 =	vand.u32 $0xFF, v27;
	v32 =	vadd.f32 $1.258291200e+07, v32;
	v35 =	vadd.f32 $1.258291200e+07, v13;
	v46 =	vld [tilespmem:s26+$0x60]  }
0x109: {  	v19 =	vmax.f32 v19, $0.0e+00;
	v13 =	vld.idx.msk [tilespmem:v25+s5+$0x0], $0xffff;
	v29 =	vsub.f32 v29, v10;
	v25 =	vmax.f32 v31, $0.0e+00  }
0x10a: {  	v35 =	vand.u32 $0xFF, v35;
	v31 =	vadd.f32 $1.258291200e+07, v33;
	v17 =	vsub.f32 v42, v17;
	v33 =	vld.idx.msk [tilespmem:v23+s5+$0x0], $0xffff  }
0x10b: {  	v19 =	vmin.f32 v19, $2.550000000e+02;
	v26 =	vld.idx.msk [tilespmem:v26+s5+$0x0], $0xffff;
	v10 =	vsub.f32 v21, v14;
	v14 =	vmin.f32 v25, $2.550000000e+02  }
0x10c: {  	v31 =	vand.u32 $0xFF, v31;
	v18 =	vsub.f32 v44, v18;
	v14 =	vadd.f32 $1.258291200e+07, v14;
	v42 =	vld.idx.msk [tilespmem:v20+s5+$0x0], $0xffff  }
0x10d: {  	v19 =	vadd.f32 $1.258291200e+07, v19;
	v30 =	vand.u32 $0xFF, v30;
	v21 =	vld.idx.msk [tilespmem:v45+s5+$0x0], $0xffff;
	v44 =	vsub.f32 v46, v11  }
0x10e: {  	v20 =	vand.u32 $0xFF, v32;
	v23 =	vmul.f32 v18, v18;
	v18 =	vand.u32 $0xFF, v14;
	v14 =	vld.idx.msk [tilespmem:v27+s5+$0x0], $0xffff  }
.Ltmp3:
0x10f: {  	v25 =	vand.u32 $0xFF, v19;
	v27 =	vsub.f32 v28, v7;
	v11 =	vld.idx.msk [tilespmem:v35+s5+$0x0], $0xffff;
	v32 =	vmul.f32 v44, v44;
	(pc) =	sbr.rel @p1 .LBB2_5-.Ltmp3, $4  }
0x110: {  	v16 =	vsub.f32 v40, v16;
	v19 =	vmul.f32 v22, v24;
	v7 =	vsub.f32 v39, v15;
	v24 =	vld.idx.msk [tilespmem:v43+s5+$0x0], $0xffff  }
0x111: {  	v34 =	vmul.f32 v34, v26;
	v26 =	vsub.f32 v38, v12;
	v22 =	vld.idx.msk [tilespmem:v31+s5+$0x0], $0xffff;
	v31 =	vmul.f32 v29, v29  }
0x112: {  	v28 =	vmul.f32 v16, v16;
	v15 =	vsub.f32 v37, v8;
	v12 =	vmul.f32 v32, v42;
	v16 =	vld.idx.msk [tilespmem:v30+s5+$0x0], $0xffff  }
0x113: {  	s25 =	sadd.s32 $0x100, s25;
	s26 =	sadd.s32 $0x100, s26;
	v27 =	vmul.f32 v27, v27;
	v29 =	vadd.f32 v34, v36;
	v30 =	vmul.f32 v31, v33;
	v8 =	vld.idx.msk [tilespmem:v41+s5+$0x0], $0xffff  }
0x114: {  	_ =	sdelay $0x3  }
0x115: {  	v21 =	vmul.f32 v23, v21;
	v17 =	vmul.f32 v17, v17;
	v56 =	vld.idx.msk [tilespmem:v25+s5+$0x0], $0xffff;
	v1 =	vsub.f32 v6, v1  }
0x116: {  	v57 =	vmul.f32 v9, v13;
	v58 =	vld.idx.msk [tilespmem:v20+s5+$0x0], $0xffff;
	v4 =	vsub.f32 v5, v4;
	v60 =	vmul.f32 v26, v26  }
0x117: {  	v18 =	vld.idx.msk [tilespmem:v18+s5+$0x0], $0xffff;
	v10 =	vmul.f32 v10, v10;
	v7 =	vmul.f32 v7, v7;
	v2 =	vadd.f32 v19, v2  }
0x118: {  	v62 =	vmul.f32 v15, v15;
	v9 =	vadd.f32 v30, v29;
	v59 =	vmul.f32 v28, v24  }
0x119: {  	v0 =	vadd.f32 v21, v0;
	v1 =	vmul.f32 v1, v1;
	v10 =	vmul.f32 v10, v16  }
0x11a: {  	v3 =	vadd.f32 v57, v3;
	v61 =	vmul.f32 v17, v22;
	v4 =	vmul.f32 v4, v4  }
0x11b: {  	v2 =	vadd.f32 v59, v2;
	v0 =	vadd.f32 v10, v0;
	v1 =	vmul.f32 v1, v56  }
0x11c: {  	v3 =	vadd.f32 v61, v3;
	v5 =	vmul.f32 v60, v58;
	v4 =	vmul.f32 v4, v18  }
.Ltmp4:
0x11d: {  	v10 =	vmul.f32 v27, v14;
	v0 =	vadd.f32 v1, v0;
	v1 =	vmul.f32 v62, v8;
	(pc) =	sbr.rel @p0 .LBB2_8-.Ltmp4, $3  }
0x11e: {  	v63 =	vmul.f32 v7, v11;
	v2 =	vadd.f32 v4, v2;
	v3 =	vadd.f32 v5, v3  }
0x11f: {  	v10 =	vadd.f32 v10, v9;
	v0 =	vadd.f32 v1, v0  }
0x120: {  	v1 =	vadd.f32 v63, v2;
	v2 =	vadd.f32 v12, v3;
	_ =	sdelay $0x1  }
0x121: {  	s24 =	sshll.u32 s23, $0xF  }
0x122: {  	s24 =	sadd.s32 s24, s11  }
.Ltmp5:
0x123: {  	s24 =	sshrl.u32 s24, $0x3;
	(pc) =	sbr.rel .LBB2_2-.Ltmp5, $4  }
0x124: {  	s25 =	sadd.s32 s1, s24  }
0x125: {  	[tilespmem:s17], [sflag:$0x2] =	stream.linear.gather [hbm4b:s25+s5], $0x4000, $0x38;
	[tilespmem:$0x10180] =	vst v63  }
0x126: {  	s23 =	sadd.s32 $0x1, s23;
	s24 =	sadd.s32 s2, s24  }
0x127: {  	[tilespmem:s18], [sflag:$0x2] =	stream.linear.gather [hbm4b:s24+s5], $0x4000, $0x38;
	[tilespmem:$0x10180] =	vst v63  }
.LBB2_9:
0x128: {  	_ =	sfence.sel $0x180000  }
0x129: {  	[bflag:$0x0] =	sbarrier.arrive $0xFFFF  }
0x12a: {  	p0 =	sne.s32 s3, $0x0;
	_ =	strace $0x90000047  }
0x12b: {  	s0 =	sadd.s32 @!p0 $0x100000, s0;
	[bflag:$0x2] =	sbarrier.arrive $0xFFFF  }
0x12c: {  	[sflag:s0] =	ssyncadd.tile.s32 @!p0 $0x1;
	_ =	shalt  }
.Lfunc_end2:
_tile_overlayer_lowered:
.L_overlay_start_2:
0x12d: {  	(tag) =	ssettag $0x2  }
0x12e: {  	s0 =	rddreg [dreg:$0x0];
	s2 =	stileid.u32  }
0x12f: {  	s1 =	rddreg [dreg:$0x1];
	p0 =	sne.s32 s2, $0x0  }
0x130: {  	s3 =	rddreg [dreg:$0x2];
	[bflag:$0x3] =	sbarrier.arrive $0xFFFF;
	s2 =	simm.s32 @!p0 $0x1C03  }
0x131: {  	[timem:s3], [sflag:s2] =	dma.local @!p0 [hbm:s0], s1  }
0x132: {  	s0 =	simm.s32 @!p0 $0x3  }
0x133: {  	_ =	swait.ge @!p0 [sflag:s0], s1  }
0x134: {  	s1 =	ssub.s32 @!p0 $0x0, s1;
	[sflag:s0] =	ssyncset.done @!p0 $0x0  }
0x135: {  	[sflag:s0] =	ssyncadd.s32 @!p0 s1  }
0x136: {  	[bflag:$0x3] =	sbarrier.arrive $0xFFFF  }
0x137: {  	_ =	shalt  }

</sc_bundles>
